<compile_context>
chip_gen: v7x
topology: tpu7x:2x2x1
jax: 0.10.2.dev20260603
libtpu: 0.0.44.dev20260713+nightly
codegen_flags: <defaults>
</compile_context>

<pallas_src>
import functools

import jax
import jax.numpy as jnp
from jax import lax
from jax.experimental import pallas as pl
from jax.experimental.pallas import tpu as pltpu
from jax.experimental.pallas import tpu_sc as plsc

DIM = 64
L = 200

NC = 2
NS = 16
NW = NC * NS

G = 80
NG = 5
C = G * NG
NBUF = 2


def _sc_embed(token_table, x2, aug):
  n_rows = x2.shape[0] * x2.shape[1]
  per_w = n_rows // NW
  n_chunks = per_w // C
  xrows_per_chunk = C // G
  mesh = plsc.VectorSubcoreMesh(core_axis_name="c", subcore_axis_name="s")

  @functools.partial(
      pl.kernel,
      out_type=jax.ShapeDtypeStruct((n_rows, DIM), jnp.float32),
      mesh=mesh,
      scratch_types=[
          pltpu.VMEM((NG, G), jnp.int32),
          pltpu.VMEM((NG, G), jnp.int32),
          pltpu.VMEM((NG, G), jnp.int32),
          pltpu.VMEM((NG, G), jnp.int32),
          pltpu.VMEM((C, DIM), jnp.float32),
          pltpu.VMEM((C, DIM), jnp.float32),
          pltpu.VMEM((C, DIM), jnp.float32),
          pltpu.VMEM((C, DIM), jnp.float32),
          pltpu.VMEM_SHARED((2 * L, DIM), jnp.float32),
          pltpu.SemaphoreType.DMA,
          pltpu.SemaphoreType.DMA,
          pltpu.SemaphoreType.DMA,
          pltpu.SemaphoreType.DMA,
          pltpu.SemaphoreType.DMA,
          pltpu.SemaphoreType.DMA,
          pltpu.SemaphoreType.DMA,
          pltpu.SemaphoreType.DMA,
      ],
      compiler_params=pltpu.CompilerParams(use_tc_tiling_on_sc=False),
  )
  def k(table_hbm, x2_hbm, aug_hbm, out_hbm,
        idx0, idx1, pidx0, pidx1, tok0, tok1, pos0, pos1, aug_sh,
        sem_i0, sem_i1, sem_g0, sem_g1, sem_p0, sem_p1, sem_w0, sem_w1):
    sid = lax.axis_index("s")
    wid = sid * NC + lax.axis_index("c")
    base_w = wid * per_w
    xrow_w = wid * (per_w // G)

    slots = (
        (idx0, pidx0, tok0, pos0, sem_i0, sem_g0, sem_p0, sem_w0),
        (idx1, pidx1, tok1, pos1, sem_i1, sem_g1, sem_p1, sem_w1),
    )

    @pl.when(sid == 0)
    def _():
      pltpu.sync_copy(aug_hbm, aug_sh)

    plsc.subcore_barrier()

    for b in range(NBUF):
      idx_v = slots[b][0]
      sem_i = slots[b][4]
      pltpu.async_copy(
          x2_hbm.at[pl.ds(xrow_w + b * xrows_per_chunk, xrows_per_chunk)],
          idx_v, sem_i)

    iota = lax.iota(jnp.int32, 16)

    @pl.loop(0, n_chunks, step=NBUF)
    def _(g):
      for b in range(NBUF):
        idx_v, pidx_v, tok_v, pos_v, sem_i, sem_g, sem_p, sem_w = slots[b]

        @pl.when(g >= NBUF)
        def _():
          pltpu.make_async_copy(
              tok_v, out_hbm.at[pl.ds(0, C)], sem_w).wait()

        pltpu.make_async_copy(
            x2_hbm.at[pl.ds(0, xrows_per_chunk)], idx_v, sem_i).wait()

        for j in range(NG):
          for l in range(G // 16):
            pv = (j * G + l * 16) + iota
            pv = pv - jnp.where(pv >= L, L, 0)
            iv = idx_v[j, pl.ds(l * 16, 16)]
            pidx_v[j, pl.ds(l * 16, 16)] = pv + jnp.where(iv == 0, L, 0)

        for j in range(NG):
          pltpu.async_copy(
              table_hbm.at[idx_v.at[j]],
              tok_v.at[pl.ds(j * G, G)], sem_g)

      for b in range(NBUF):
        idx_v, pidx_v, tok_v, pos_v, sem_i, sem_g, sem_p, sem_w = slots[b]
        base = base_w + (g + b) * C
        for j in range(NG):
          pltpu.make_async_copy(
              table_hbm.at[idx_v.at[j]],
              tok_v.at[pl.ds(j * G, G)], sem_g).wait()

        nxt = g + b + NBUF

        @pl.when(nxt < n_chunks)
        def _():
          pltpu.async_copy(
              x2_hbm.at[pl.ds(xrow_w + nxt * xrows_per_chunk,
                              xrows_per_chunk)],
              idx_v, sem_i)

        pltpu.async_copy(tok_v, out_hbm.at[pl.ds(base, C)], sem_w)

    for b in range(NBUF):
      tok_v = slots[b][2]
      sem_w = slots[b][7]
      pltpu.make_async_copy(tok_v, out_hbm.at[pl.ds(0, C)], sem_w).wait()

  return k(token_table, x2, aug)


def kernel(x, token_table, pos_table):
  Bsz, Lseq = x.shape
  x2 = x.reshape(Bsz * Lseq // G, G)
  aug = jnp.concatenate(
      [pos_table[:Lseq], pos_table[:Lseq] - token_table[0]], axis=0)
  out = _sc_embed(token_table, x2, aug)
  return out.reshape(Bsz, Lseq, DIM)

# --- scband reference (transcript-rebuilt; emitter-appended) ---
"""Pipeline reference for scband-token-embedding-89292370084201 (READ-ONLY COPY).

The authoritative reference and input builder live on the scoring server;
editing this copy changes nothing except your own understanding.
"""

import jax, jax.numpy as jnp
import numpy as np

VOCAB = 1000000
DIM = 64
MAXLEN = 512
B = 4096
L = 200


def setup_inputs(seed: int = 0) -> dict:
    key = jax.random.key(seed)
    k1, k2, k3 = jax.random.split(key, 3)
    x = jax.random.randint(k1, (B, L), 0, VOCAB, dtype=jnp.int32)
    token_table = jax.random.normal(k2, (VOCAB, DIM), dtype=jnp.float32) * 0.02
    pos_table = jax.random.normal(k3, (MAXLEN, DIM), dtype=jnp.float32) * 0.02
    return {"x": x, "token_table": token_table, "pos_table": pos_table}


def reference(x, token_table, pos_table):
    # Token embedding with padding_idx=0 (row 0 contributes zero vector).
    Bsz, Lseq = x.shape
    pad_mask = (x != 0).astype(token_table.dtype)[..., None]
    tok = jnp.take(token_table, x, axis=0) * pad_mask
    positions = jnp.arange(Lseq, dtype=jnp.int32)
    pos = jnp.take(pos_table, positions, axis=0)[None, :, :]
    # Dropout is identity in eval/reference mode.
    return tok + pos

if __name__ == "__main__":
    import jax
    _d = setup_inputs()
    print(jax.jit(kernel)(*tuple(_d.values())))

</pallas_src>

<mosaic_0001>
#map = affine_map<(d0, d1) -> (0, 0)>
module attributes {stable_mosaic.version = 14 : i64} {
  func.func @k(%arg0: i32, %arg1: i32, %arg2: memref<1000000x64xf32, #tpu.memory_space<hbm>>, %arg3: memref<10240x80xi32, #tpu.memory_space<hbm>>, %arg4: memref<400x64xf32, #tpu.memory_space<hbm>>, %arg5: memref<819200x64xf32, #tpu.memory_space<hbm>>, %arg6: memref<5x80xi32, #tpu.memory_space<vmem>>, %arg7: memref<5x80xi32, #tpu.memory_space<vmem>>, %arg8: memref<5x80xi32, #tpu.memory_space<vmem>>, %arg9: memref<5x80xi32, #tpu.memory_space<vmem>>, %arg10: memref<400x64xf32, #tpu.memory_space<vmem>>, %arg11: memref<400x64xf32, #tpu.memory_space<vmem>>, %arg12: memref<400x64xf32, #tpu.memory_space<vmem>>, %arg13: memref<400x64xf32, #tpu.memory_space<vmem>>, %arg14: memref<400x64xf32, #tpu.memory_space<vmem_shared>>, %arg15: memref<!tpu.dma_semaphore, #tpu.memory_space<semaphore_mem>>, %arg16: memref<!tpu.dma_semaphore, #tpu.memory_space<semaphore_mem>>, %arg17: memref<!tpu.dma_semaphore, #tpu.memory_space<semaphore_mem>>, %arg18: memref<!tpu.dma_semaphore, #tpu.memory_space<semaphore_mem>>, %arg19: memref<!tpu.dma_semaphore, #tpu.memory_space<semaphore_mem>>, %arg20: memref<!tpu.dma_semaphore, #tpu.memory_space<semaphore_mem>>, %arg21: memref<!tpu.dma_semaphore, #tpu.memory_space<semaphore_mem>>, %arg22: memref<!tpu.dma_semaphore, #tpu.memory_space<semaphore_mem>>) attributes {dimension_semantics = [#tpu.dimension_semantics<core_parallel>, #tpu.dimension_semantics<subcore_parallel>], iteration_bounds = array<i64: 2, 16>, scalar_prefetch = 0 : i64, scratch_operands = 17 : i64, tpu.core_type = #tpu.core_type<sc_vector_subcore>, window_params = [{transform_indices = #map}, {transform_indices = #map}, {transform_indices = #map}, {transform_indices = #map}]} {
    %mul3A = arith.constant 2 : i32
    %mul3A_0 = arith.muli %arg1, %mul3A : i32
    %add3A = arith.addi %mul3A_0, %arg0 : i32
    %mul3A_1 = arith.constant 25600 : i32
    %mul3A_2 = arith.muli %add3A, %mul3A_1 : i32
    %mul3A_3 = arith.constant 320 : i32
    %mul3A_4 = arith.muli %add3A, %mul3A_3 : i32
    %eq3A = arith.constant 0 : i32
    %eq3A_5 = arith.cmpi eq, %arg1, %eq3A : i32
    %convert_element_type3A = arith.extui %eq3A_5 : i1 to i32
    %cond3A = arith.constant 0 : i32
    %cond3A_6 = arith.cmpi ne, %convert_element_type3A, %cond3A : i32
    scf.if %cond3A_6 {
      "tpu.region"() ({
        %run_scoped3A = tpu.sem_alloc : memref<!tpu.dma_semaphore, #tpu.memory_space<semaphore_mem>>
        tpu.enqueue_dma source(%arg4 : memref<400x64xf32, #tpu.memory_space<hbm>>) target(%arg14 : memref<400x64xf32, #tpu.memory_space<vmem_shared>>) target_semaphore(%run_scoped3A : memref<!tpu.dma_semaphore, #tpu.memory_space<semaphore_mem>>)
        tpu.wait_dma2 semaphore(%run_scoped3A : memref<!tpu.dma_semaphore, #tpu.memory_space<semaphore_mem>>) src(%arg4 : memref<400x64xf32, #tpu.memory_space<hbm>>) dst(%arg14 : memref<400x64xf32, #tpu.memory_space<vmem_shared>>)
        tpu.yield
      }) : () -> ()
    } else {
    }
    %barrier3A = arith.constant 0 : index
    tpu.barrier barrier_id(%barrier3A)
    %add3A_7 = arith.constant 0 : i32
    %add3A_8 = arith.addi %mul3A_4, %add3A_7 : i32
    %dma_start3A = arith.constant 0 : i32
    %dma_start3A_9 = tpu.memref_slice %arg3[%add3A_8, %dma_start3A] : memref<10240x80xi32, #tpu.memory_space<hbm>> -> memref<5x80xi32, #tpu.memory_space<hbm>>
    %dma_start3A_10 = arith.constant 0 : i32
    %dma_start3A_11 = tpu.memref_slice %arg3[%add3A_8, %dma_start3A_10] : memref<10240x80xi32, #tpu.memory_space<hbm>> -> memref<5x80xi32, #tpu.memory_space<hbm>>
    tpu.enqueue_dma source(%dma_start3A_11 : memref<5x80xi32, #tpu.memory_space<hbm>>) target(%arg6 : memref<5x80xi32, #tpu.memory_space<vmem>>) target_semaphore(%arg15 : memref<!tpu.dma_semaphore, #tpu.memory_space<semaphore_mem>>)
    %add3A_12 = arith.constant 5 : i32
    %add3A_13 = arith.addi %mul3A_4, %add3A_12 : i32
    %dma_start3A_14 = arith.constant 0 : i32
    %dma_start3A_15 = tpu.memref_slice %arg3[%add3A_13, %dma_start3A_14] : memref<10240x80xi32, #tpu.memory_space<hbm>> -> memref<5x80xi32, #tpu.memory_space<hbm>>
    %dma_start3A_16 = arith.constant 0 : i32
    %dma_start3A_17 = tpu.memref_slice %arg3[%add3A_13, %dma_start3A_16] : memref<10240x80xi32, #tpu.memory_space<hbm>> -> memref<5x80xi32, #tpu.memory_space<hbm>>
    tpu.enqueue_dma source(%dma_start3A_17 : memref<5x80xi32, #tpu.memory_space<hbm>>) target(%arg7 : memref<5x80xi32, #tpu.memory_space<vmem>>) target_semaphore(%arg16 : memref<!tpu.dma_semaphore, #tpu.memory_space<semaphore_mem>>)
    %iota3A = tpu.iota {dimensions = array<i32: 0>} : vector<16xi32>
    %scan3A = arith.constant 0 : i32
    %scan3A_18 = arith.constant 32 : i32
    %scan3A_19 = arith.addi %scan3A, %scan3A_18 : i32
    %scan3A_20 = arith.constant 1 : i32
    scf.for %scan3A_33 = %scan3A to %scan3A_19 step %scan3A_20  : i32 {
      %mul3A_34 = arith.constant 2 : i32
      %mul3A_35 = arith.muli %scan3A_33, %mul3A_34 : i32
      %add3A_36 = arith.constant 0 : i32
      %add3A_37 = arith.addi %add3A_36, %mul3A_35 : i32
      %ge3A = arith.constant 2 : i32
      %ge3A_38 = arith.cmpi sge, %add3A_37, %ge3A : i32
      %convert_element_type3A_39 = arith.extui %ge3A_38 : i1 to i32
      %cond3A_40 = arith.constant 0 : i32
      %cond3A_41 = arith.cmpi ne, %convert_element_type3A_39, %cond3A_40 : i32
      scf.if %cond3A_41 {
        %dma_wait3A_1888 = arith.constant 0 : i32
        %dma_wait3A_1889 = arith.constant 0 : i32
        %dma_wait3A_1890 = tpu.memref_slice %arg5[%dma_wait3A_1888, %dma_wait3A_1889] : memref<819200x64xf32, #tpu.memory_space<hbm>> -> memref<400x64xf32, #tpu.memory_space<hbm>>
        %dma_wait3A_1891 = arith.constant 0 : i32
        %dma_wait3A_1892 = arith.constant 0 : i32
        %dma_wait3A_1893 = tpu.memref_slice %arg5[%dma_wait3A_1891, %dma_wait3A_1892] : memref<819200x64xf32, #tpu.memory_space<hbm>> -> memref<400x64xf32, #tpu.memory_space<hbm>>
        tpu.wait_dma2 semaphore(%arg21 : memref<!tpu.dma_semaphore, #tpu.memory_space<semaphore_mem>>) src(%arg10 : memref<400x64xf32, #tpu.memory_space<vmem>>) dst(%dma_wait3A_1893 : memref<400x64xf32, #tpu.memory_space<hbm>>)
      } else {
      }
      %dma_wait3A_42 = arith.constant 0 : i32
      %dma_wait3A_43 = arith.constant 0 : i32
      %dma_wait3A_44 = tpu.memref_slice %arg3[%dma_wait3A_42, %dma_wait3A_43] : memref<10240x80xi32, #tpu.memory_space<hbm>> -> memref<5x80xi32, #tpu.memory_space<hbm>>
      %dma_wait3A_45 = arith.constant 0 : i32
      %dma_wait3A_46 = arith.constant 0 : i32
      %dma_wait3A_47 = tpu.memref_slice %arg3[%dma_wait3A_45, %dma_wait3A_46] : memref<10240x80xi32, #tpu.memory_space<hbm>> -> memref<5x80xi32, #tpu.memory_space<hbm>>
      tpu.wait_dma2 semaphore(%arg15 : memref<!tpu.dma_semaphore, #tpu.memory_space<semaphore_mem>>) src(%dma_wait3A_47 : memref<5x80xi32, #tpu.memory_space<hbm>>) dst(%arg6 : memref<5x80xi32, #tpu.memory_space<vmem>>)
      %add3A_48 = arith.constant 0 : i32
      %add3A_49 = vector.broadcast %add3A_48 : i32 to vector<16xi32>
      %add3A_50 = arith.addi %add3A_49, %iota3A : vector<16xi32>
      %ge3A_51 = arith.constant 200 : i32
      %ge3A_52 = vector.broadcast %ge3A_51 : i32 to vector<16xi32>
      %ge3A_53 = arith.cmpi sge, %add3A_50, %ge3A_52 : vector<16xi32>
      %jit3A = arith.constant 200 : i32
      %jit3A_54 = arith.constant 0 : i32
      %broadcast_in_dim3A = vector.broadcast %jit3A : i32 to vector<16xi32>
      %broadcast_in_dim3A_55 = vector.broadcast %jit3A_54 : i32 to vector<16xi32>
      %select_n3A = arith.select %ge3A_53, %broadcast_in_dim3A, %broadcast_in_dim3A_55 : vector<16xi1>, vector<16xi32>
      %sub3A = arith.subi %add3A_50, %select_n3A : vector<16xi32>
      %get3A = arith.constant 0 : i32
      %get3A_56 = arith.index_cast %get3A : i32 to index
      %get3A_57 = arith.constant 0 : index
      %get3A_58 = tpu.vector_load %arg6[%get3A_56, %get3A_57] {strides = array<i32>} : memref<5x80xi32, #tpu.memory_space<vmem>>, vector<1x16xi32>,
      %get3A_59 = vector.shape_cast %get3A_58 : vector<1x16xi32> to vector<16xi32>
      %eq3A_60 = arith.constant 0 : i32
      %eq3A_61 = vector.broadcast %eq3A_60 : i32 to vector<16xi32>
      %eq3A_62 = arith.cmpi eq, %get3A_59, %eq3A_61 : vector<16xi32>
      %jit3A_63 = arith.constant 200 : i32
      %jit3A_64 = arith.constant 0 : i32
      %broadcast_in_dim3A_65 = vector.broadcast %jit3A_63 : i32 to vector<16xi32>
      %broadcast_in_dim3A_66 = vector.broadcast %jit3A_64 : i32 to vector<16xi32>
      %select_n3A_67 = arith.select %eq3A_62, %broadcast_in_dim3A_65, %broadcast_in_dim3A_66 : vector<16xi1>, vector<16xi32>
      %add3A_68 = arith.addi %sub3A, %select_n3A_67 : vector<16xi32>
      %swap3A = arith.constant 0 : i32
      %swap3A_69 = arith.index_cast %swap3A : i32 to index
      %swap3A_70 = arith.constant 0 : index
      %swap3A_71 = tpu.vector_load %arg8[%swap3A_69, %swap3A_70] {strides = array<i32>} : memref<5x80xi32, #tpu.memory_space<vmem>>, vector<1x16xi32>,
      %swap3A_72 = vector.shape_cast %swap3A_71 : vector<1x16xi32> to vector<16xi32>
      %swap3A_73 = vector.shape_cast %add3A_68 : vector<16xi32> to vector<1x16xi32>
      tpu.vector_store %arg8[%swap3A_69, %swap3A_70], %swap3A_73 {strides = array<i32>} : memref<5x80xi32, #tpu.memory_space<vmem>>, vector<1x16xi32>,
      %add3A_74 = arith.constant 16 : i32
      %add3A_75 = vector.broadcast %add3A_74 : i32 to vector<16xi32>
      %add3A_76 = arith.addi %add3A_75, %iota3A : vector<16xi32>
      %ge3A_77 = arith.constant 200 : i32
      %ge3A_78 = vector.broadcast %ge3A_77 : i32 to vector<16xi32>
      %ge3A_79 = arith.cmpi sge, %add3A_76, %ge3A_78 : vector<16xi32>
      %jit3A_80 = arith.constant 200 : i32
      %jit3A_81 = arith.constant 0 : i32
      %broadcast_in_dim3A_82 = vector.broadcast %jit3A_80 : i32 to vector<16xi32>
      %broadcast_in_dim3A_83 = vector.broadcast %jit3A_81 : i32 to vector<16xi32>
      %select_n3A_84 = arith.select %ge3A_79, %broadcast_in_dim3A_82, %broadcast_in_dim3A_83 : vector<16xi1>, vector<16xi32>
      %sub3A_85 = arith.subi %add3A_76, %select_n3A_84 : vector<16xi32>
      %get3A_86 = arith.constant 0 : i32
      %get3A_87 = arith.index_cast %get3A_86 : i32 to index
      %get3A_88 = arith.constant 16 : index
      %get3A_89 = tpu.vector_load %arg6[%get3A_87, %get3A_88] {strides = array<i32>} : memref<5x80xi32, #tpu.memory_space<vmem>>, vector<1x16xi32>,
      %get3A_90 = vector.shape_cast %get3A_89 : vector<1x16xi32> to vector<16xi32>
      %eq3A_91 = arith.constant 0 : i32
      %eq3A_92 = vector.broadcast %eq3A_91 : i32 to vector<16xi32>
      %eq3A_93 = arith.cmpi eq, %get3A_90, %eq3A_92 : vector<16xi32>
      %jit3A_94 = arith.constant 200 : i32
      %jit3A_95 = arith.constant 0 : i32
      %broadcast_in_dim3A_96 = vector.broadcast %jit3A_94 : i32 to vector<16xi32>
      %broadcast_in_dim3A_97 = vector.broadcast %jit3A_95 : i32 to vector<16xi32>
      %select_n3A_98 = arith.select %eq3A_93, %broadcast_in_dim3A_96, %broadcast_in_dim3A_97 : vector<16xi1>, vector<16xi32>
      %add3A_99 = arith.addi %sub3A_85, %select_n3A_98 : vector<16xi32>
      %swap3A_100 = arith.constant 0 : i32
      %swap3A_101 = arith.index_cast %swap3A_100 : i32 to index
      %swap3A_102 = arith.constant 16 : index
      %swap3A_103 = tpu.vector_load %arg8[%swap3A_101, %swap3A_102] {strides = array<i32>} : memref<5x80xi32, #tpu.memory_space<vmem>>, vector<1x16xi32>,
      %swap3A_104 = vector.shape_cast %swap3A_103 : vector<1x16xi32> to vector<16xi32>
      %swap3A_105 = vector.shape_cast %add3A_99 : vector<16xi32> to vector<1x16xi32>
      tpu.vector_store %arg8[%swap3A_101, %swap3A_102], %swap3A_105 {strides = array<i32>} : memref<5x80xi32, #tpu.memory_space<vmem>>, vector<1x16xi32>,
      %add3A_106 = arith.constant 32 : i32
      %add3A_107 = vector.broadcast %add3A_106 : i32 to vector<16xi32>
      %add3A_108 = arith.addi %add3A_107, %iota3A : vector<16xi32>
      %ge3A_109 = arith.constant 200 : i32
      %ge3A_110 = vector.broadcast %ge3A_109 : i32 to vector<16xi32>
      %ge3A_111 = arith.cmpi sge, %add3A_108, %ge3A_110 : vector<16xi32>
      %jit3A_112 = arith.constant 200 : i32
      %jit3A_113 = arith.constant 0 : i32
      %broadcast_in_dim3A_114 = vector.broadcast %jit3A_112 : i32 to vector<16xi32>
      %broadcast_in_dim3A_115 = vector.broadcast %jit3A_113 : i32 to vector<16xi32>
      %select_n3A_116 = arith.select %ge3A_111, %broadcast_in_dim3A_114, %broadcast_in_dim3A_115 : vector<16xi1>, vector<16xi32>
      %sub3A_117 = arith.subi %add3A_108, %select_n3A_116 : vector<16xi32>
      %get3A_118 = arith.constant 0 : i32
      %get3A_119 = arith.index_cast %get3A_118 : i32 to index
      %get3A_120 = arith.constant 32 : index
      %get3A_121 = tpu.vector_load %arg6[%get3A_119, %get3A_120] {strides = array<i32>} : memref<5x80xi32, #tpu.memory_space<vmem>>, vector<1x16xi32>,
      %get3A_122 = vector.shape_cast %get3A_121 : vector<1x16xi32> to vector<16xi32>
      %eq3A_123 = arith.constant 0 : i32
      %eq3A_124 = vector.broadcast %eq3A_123 : i32 to vector<16xi32>
      %eq3A_125 = arith.cmpi eq, %get3A_122, %eq3A_124 : vector<16xi32>
      %jit3A_126 = arith.constant 200 : i32
      %jit3A_127 = arith.constant 0 : i32
      %broadcast_in_dim3A_128 = vector.broadcast %jit3A_126 : i32 to vector<16xi32>
      %broadcast_in_dim3A_129 = vector.broadcast %jit3A_127 : i32 to vector<16xi32>
      %select_n3A_130 = arith.select %eq3A_125, %broadcast_in_dim3A_128, %broadcast_in_dim3A_129 : vector<16xi1>, vector<16xi32>
      %add3A_131 = arith.addi %sub3A_117, %select_n3A_130 : vector<16xi32>
      %swap3A_132 = arith.constant 0 : i32
      %swap3A_133 = arith.index_cast %swap3A_132 : i32 to index
      %swap3A_134 = arith.constant 32 : index
      %swap3A_135 = tpu.vector_load %arg8[%swap3A_133, %swap3A_134] {strides = array<i32>} : memref<5x80xi32, #tpu.memory_space<vmem>>, vector<1x16xi32>,
      %swap3A_136 = vector.shape_cast %swap3A_135 : vector<1x16xi32> to vector<16xi32>
      %swap3A_137 = vector.shape_cast %add3A_131 : vector<16xi32> to vector<1x16xi32>
      tpu.vector_store %arg8[%swap3A_133, %swap3A_134], %swap3A_137 {strides = array<i32>} : memref<5x80xi32, #tpu.memory_space<vmem>>, vector<1x16xi32>,
      %add3A_138 = arith.constant 48 : i32
      %add3A_139 = vector.broadcast %add3A_138 : i32 to vector<16xi32>
      %add3A_140 = arith.addi %add3A_139, %iota3A : vector<16xi32>
      %ge3A_141 = arith.constant 200 : i32
      %ge3A_142 = vector.broadcast %ge3A_141 : i32 to vector<16xi32>
      %ge3A_143 = arith.cmpi sge, %add3A_140, %ge3A_142 : vector<16xi32>
      %jit3A_144 = arith.constant 200 : i32
      %jit3A_145 = arith.constant 0 : i32
      %broadcast_in_dim3A_146 = vector.broadcast %jit3A_144 : i32 to vector<16xi32>
      %broadcast_in_dim3A_147 = vector.broadcast %jit3A_145 : i32 to vector<16xi32>
      %select_n3A_148 = arith.select %ge3A_143, %broadcast_in_dim3A_146, %broadcast_in_dim3A_147 : vector<16xi1>, vector<16xi32>
      %sub3A_149 = arith.subi %add3A_140, %select_n3A_148 : vector<16xi32>
      %get3A_150 = arith.constant 0 : i32
      %get3A_151 = arith.index_cast %get3A_150 : i32 to index
      %get3A_152 = arith.constant 48 : index
      %get3A_153 = tpu.vector_load %arg6[%get3A_151, %get3A_152] {strides = array<i32>} : memref<5x80xi32, #tpu.memory_space<vmem>>, vector<1x16xi32>,
      %get3A_154 = vector.shape_cast %get3A_153 : vector<1x16xi32> to vector<16xi32>
      %eq3A_155 = arith.constant 0 : i32
      %eq3A_156 = vector.broadcast %eq3A_155 : i32 to vector<16xi32>
      %eq3A_157 = arith.cmpi eq, %get3A_154, %eq3A_156 : vector<16xi32>
      %jit3A_158 = arith.constant 200 : i32
      %jit3A_159 = arith.constant 0 : i32
      %broadcast_in_dim3A_160 = vector.broadcast %jit3A_158 : i32 to vector<16xi32>
      %broadcast_in_dim3A_161 = vector.broadcast %jit3A_159 : i32 to vector<16xi32>
      %select_n3A_162 = arith.select %eq3A_157, %broadcast_in_dim3A_160, %broadcast_in_dim3A_161 : vector<16xi1>, vector<16xi32>
      %add3A_163 = arith.addi %sub3A_149, %select_n3A_162 : vector<16xi32>
      %swap3A_164 = arith.constant 0 : i32
      %swap3A_165 = arith.index_cast %swap3A_164 : i32 to index
      %swap3A_166 = arith.constant 48 : index
      %swap3A_167 = tpu.vector_load %arg8[%swap3A_165, %swap3A_166] {strides = array<i32>} : memref<5x80xi32, #tpu.memory_space<vmem>>, vector<1x16xi32>,
      %swap3A_168 = vector.shape_cast %swap3A_167 : vector<1x16xi32> to vector<16xi32>
      %swap3A_169 = vector.shape_cast %add3A_163 : vector<16xi32> to vector<1x16xi32>
      tpu.vector_store %arg8[%swap3A_165, %swap3A_166], %swap3A_169 {strides = array<i32>} : memref<5x80xi32, #tpu.memory_space<vmem>>, vector<1x16xi32>,
      %add3A_170 = arith.constant 64 : i32
      %add3A_171 = vector.broadcast %add3A_170 : i32 to vector<16xi32>
      %add3A_172 = arith.addi %add3A_171, %iota3A : vector<16xi32>
      %ge3A_173 = arith.constant 200 : i32
      %ge3A_174 = vector.broadcast %ge3A_173 : i32 to vector<16xi32>
      %ge3A_175 = arith.cmpi sge, %add3A_172, %ge3A_174 : vector<16xi32>
      %jit3A_176 = arith.constant 200 : i32
      %jit3A_177 = arith.constant 0 : i32
      %broadcast_in_dim3A_178 = vector.broadcast %jit3A_176 : i32 to vector<16xi32>
      %broadcast_in_dim3A_179 = vector.broadcast %jit3A_177 : i32 to vector<16xi32>
      %select_n3A_180 = arith.select %ge3A_175, %broadcast_in_dim3A_178, %broadcast_in_dim3A_179 : vector<16xi1>, vector<16xi32>
      %sub3A_181 = arith.subi %add3A_172, %select_n3A_180 : vector<16xi32>
      %get3A_182 = arith.constant 0 : i32
      %get3A_183 = arith.index_cast %get3A_182 : i32 to index
      %get3A_184 = arith.constant 64 : index
      %get3A_185 = tpu.vector_load %arg6[%get3A_183, %get3A_184] {strides = array<i32>} : memref<5x80xi32, #tpu.memory_space<vmem>>, vector<1x16xi32>,
      %get3A_186 = vector.shape_cast %get3A_185 : vector<1x16xi32> to vector<16xi32>
      %eq3A_187 = arith.constant 0 : i32
      %eq3A_188 = vector.broadcast %eq3A_187 : i32 to vector<16xi32>
      %eq3A_189 = arith.cmpi eq, %get3A_186, %eq3A_188 : vector<16xi32>
      %jit3A_190 = arith.constant 200 : i32
      %jit3A_191 = arith.constant 0 : i32
      %broadcast_in_dim3A_192 = vector.broadcast %jit3A_190 : i32 to vector<16xi32>
      %broadcast_in_dim3A_193 = vector.broadcast %jit3A_191 : i32 to vector<16xi32>
      %select_n3A_194 = arith.select %eq3A_189, %broadcast_in_dim3A_192, %broadcast_in_dim3A_193 : vector<16xi1>, vector<16xi32>
      %add3A_195 = arith.addi %sub3A_181, %select_n3A_194 : vector<16xi32>
      %swap3A_196 = arith.constant 0 : i32
      %swap3A_197 = arith.index_cast %swap3A_196 : i32 to index
      %swap3A_198 = arith.constant 64 : index
      %swap3A_199 = tpu.vector_load %arg8[%swap3A_197, %swap3A_198] {strides = array<i32>} : memref<5x80xi32, #tpu.memory_space<vmem>>, vector<1x16xi32>,
      %swap3A_200 = vector.shape_cast %swap3A_199 : vector<1x16xi32> to vector<16xi32>
      %swap3A_201 = vector.shape_cast %add3A_195 : vector<16xi32> to vector<1x16xi32>
      tpu.vector_store %arg8[%swap3A_197, %swap3A_198], %swap3A_201 {strides = array<i32>} : memref<5x80xi32, #tpu.memory_space<vmem>>, vector<1x16xi32>,
      %add3A_202 = arith.constant 80 : i32
      %add3A_203 = vector.broadcast %add3A_202 : i32 to vector<16xi32>
      %add3A_204 = arith.addi %add3A_203, %iota3A : vector<16xi32>
      %ge3A_205 = arith.constant 200 : i32
      %ge3A_206 = vector.broadcast %ge3A_205 : i32 to vector<16xi32>
      %ge3A_207 = arith.cmpi sge, %add3A_204, %ge3A_206 : vector<16xi32>
      %jit3A_208 = arith.constant 200 : i32
      %jit3A_209 = arith.constant 0 : i32
      %broadcast_in_dim3A_210 = vector.broadcast %jit3A_208 : i32 to vector<16xi32>
      %broadcast_in_dim3A_211 = vector.broadcast %jit3A_209 : i32 to vector<16xi32>
      %select_n3A_212 = arith.select %ge3A_207, %broadcast_in_dim3A_210, %broadcast_in_dim3A_211 : vector<16xi1>, vector<16xi32>
      %sub3A_213 = arith.subi %add3A_204, %select_n3A_212 : vector<16xi32>
      %get3A_214 = arith.constant 1 : i32
      %get3A_215 = arith.index_cast %get3A_214 : i32 to index
      %get3A_216 = arith.constant 0 : index
      %get3A_217 = tpu.vector_load %arg6[%get3A_215, %get3A_216] {strides = array<i32>} : memref<5x80xi32, #tpu.memory_space<vmem>>, vector<1x16xi32>,
      %get3A_218 = vector.shape_cast %get3A_217 : vector<1x16xi32> to vector<16xi32>
      %eq3A_219 = arith.constant 0 : i32
      %eq3A_220 = vector.broadcast %eq3A_219 : i32 to vector<16xi32>
      %eq3A_221 = arith.cmpi eq, %get3A_218, %eq3A_220 : vector<16xi32>
      %jit3A_222 = arith.constant 200 : i32
      %jit3A_223 = arith.constant 0 : i32
      %broadcast_in_dim3A_224 = vector.broadcast %jit3A_222 : i32 to vector<16xi32>
      %broadcast_in_dim3A_225 = vector.broadcast %jit3A_223 : i32 to vector<16xi32>
      %select_n3A_226 = arith.select %eq3A_221, %broadcast_in_dim3A_224, %broadcast_in_dim3A_225 : vector<16xi1>, vector<16xi32>
      %add3A_227 = arith.addi %sub3A_213, %select_n3A_226 : vector<16xi32>
      %swap3A_228 = arith.constant 1 : i32
      %swap3A_229 = arith.index_cast %swap3A_228 : i32 to index
      %swap3A_230 = arith.constant 0 : index
      %swap3A_231 = tpu.vector_load %arg8[%swap3A_229, %swap3A_230] {strides = array<i32>} : memref<5x80xi32, #tpu.memory_space<vmem>>, vector<1x16xi32>,
      %swap3A_232 = vector.shape_cast %swap3A_231 : vector<1x16xi32> to vector<16xi32>
      %swap3A_233 = vector.shape_cast %add3A_227 : vector<16xi32> to vector<1x16xi32>
      tpu.vector_store %arg8[%swap3A_229, %swap3A_230], %swap3A_233 {strides = array<i32>} : memref<5x80xi32, #tpu.memory_space<vmem>>, vector<1x16xi32>,
      %add3A_234 = arith.constant 96 : i32
      %add3A_235 = vector.broadcast %add3A_234 : i32 to vector<16xi32>
      %add3A_236 = arith.addi %add3A_235, %iota3A : vector<16xi32>
      %ge3A_237 = arith.constant 200 : i32
      %ge3A_238 = vector.broadcast %ge3A_237 : i32 to vector<16xi32>
      %ge3A_239 = arith.cmpi sge, %add3A_236, %ge3A_238 : vector<16xi32>
      %jit3A_240 = arith.constant 200 : i32
      %jit3A_241 = arith.constant 0 : i32
      %broadcast_in_dim3A_242 = vector.broadcast %jit3A_240 : i32 to vector<16xi32>
      %broadcast_in_dim3A_243 = vector.broadcast %jit3A_241 : i32 to vector<16xi32>
      %select_n3A_244 = arith.select %ge3A_239, %broadcast_in_dim3A_242, %broadcast_in_dim3A_243 : vector<16xi1>, vector<16xi32>
      %sub3A_245 = arith.subi %add3A_236, %select_n3A_244 : vector<16xi32>
      %get3A_246 = arith.constant 1 : i32
      %get3A_247 = arith.index_cast %get3A_246 : i32 to index
      %get3A_248 = arith.constant 16 : index
      %get3A_249 = tpu.vector_load %arg6[%get3A_247, %get3A_248] {strides = array<i32>} : memref<5x80xi32, #tpu.memory_space<vmem>>, vector<1x16xi32>,
      %get3A_250 = vector.shape_cast %get3A_249 : vector<1x16xi32> to vector<16xi32>
      %eq3A_251 = arith.constant 0 : i32
      %eq3A_252 = vector.broadcast %eq3A_251 : i32 to vector<16xi32>
      %eq3A_253 = arith.cmpi eq, %get3A_250, %eq3A_252 : vector<16xi32>
      %jit3A_254 = arith.constant 200 : i32
      %jit3A_255 = arith.constant 0 : i32
      %broadcast_in_dim3A_256 = vector.broadcast %jit3A_254 : i32 to vector<16xi32>
      %broadcast_in_dim3A_257 = vector.broadcast %jit3A_255 : i32 to vector<16xi32>
      %select_n3A_258 = arith.select %eq3A_253, %broadcast_in_dim3A_256, %broadcast_in_dim3A_257 : vector<16xi1>, vector<16xi32>
      %add3A_259 = arith.addi %sub3A_245, %select_n3A_258 : vector<16xi32>
      %swap3A_260 = arith.constant 1 : i32
      %swap3A_261 = arith.index_cast %swap3A_260 : i32 to index
      %swap3A_262 = arith.constant 16 : index
      %swap3A_263 = tpu.vector_load %arg8[%swap3A_261, %swap3A_262] {strides = array<i32>} : memref<5x80xi32, #tpu.memory_space<vmem>>, vector<1x16xi32>,
      %swap3A_264 = vector.shape_cast %swap3A_263 : vector<1x16xi32> to vector<16xi32>
      %swap3A_265 = vector.shape_cast %add3A_259 : vector<16xi32> to vector<1x16xi32>
      tpu.vector_store %arg8[%swap3A_261, %swap3A_262], %swap3A_265 {strides = array<i32>} : memref<5x80xi32, #tpu.memory_space<vmem>>, vector<1x16xi32>,
      %add3A_266 = arith.constant 112 : i32
      %add3A_267 = vector.broadcast %add3A_266 : i32 to vector<16xi32>
      %add3A_268 = arith.addi %add3A_267, %iota3A : vector<16xi32>
      %ge3A_269 = arith.constant 200 : i32
      %ge3A_270 = vector.broadcast %ge3A_269 : i32 to vector<16xi32>
      %ge3A_271 = arith.cmpi sge, %add3A_268, %ge3A_270 : vector<16xi32>
      %jit3A_272 = arith.constant 200 : i32
      %jit3A_273 = arith.constant 0 : i32
      %broadcast_in_dim3A_274 = vector.broadcast %jit3A_272 : i32 to vector<16xi32>
      %broadcast_in_dim3A_275 = vector.broadcast %jit3A_273 : i32 to vector<16xi32>
      %select_n3A_276 = arith.select %ge3A_271, %broadcast_in_dim3A_274, %broadcast_in_dim3A_275 : vector<16xi1>, vector<16xi32>
      %sub3A_277 = arith.subi %add3A_268, %select_n3A_276 : vector<16xi32>
      %get3A_278 = arith.constant 1 : i32
      %get3A_279 = arith.index_cast %get3A_278 : i32 to index
      %get3A_280 = arith.constant 32 : index
      %get3A_281 = tpu.vector_load %arg6[%get3A_279, %get3A_280] {strides = array<i32>} : memref<5x80xi32, #tpu.memory_space<vmem>>, vector<1x16xi32>,
      %get3A_282 = vector.shape_cast %get3A_281 : vector<1x16xi32> to vector<16xi32>
      %eq3A_283 = arith.constant 0 : i32
      %eq3A_284 = vector.broadcast %eq3A_283 : i32 to vector<16xi32>
      %eq3A_285 = arith.cmpi eq, %get3A_282, %eq3A_284 : vector<16xi32>
      %jit3A_286 = arith.constant 200 : i32
      %jit3A_287 = arith.constant 0 : i32
      %broadcast_in_dim3A_288 = vector.broadcast %jit3A_286 : i32 to vector<16xi32>
      %broadcast_in_dim3A_289 = vector.broadcast %jit3A_287 : i32 to vector<16xi32>
      %select_n3A_290 = arith.select %eq3A_285, %broadcast_in_dim3A_288, %broadcast_in_dim3A_289 : vector<16xi1>, vector<16xi32>
      %add3A_291 = arith.addi %sub3A_277, %select_n3A_290 : vector<16xi32>
      %swap3A_292 = arith.constant 1 : i32
      %swap3A_293 = arith.index_cast %swap3A_292 : i32 to index
      %swap3A_294 = arith.constant 32 : index
      %swap3A_295 = tpu.vector_load %arg8[%swap3A_293, %swap3A_294] {strides = array<i32>} : memref<5x80xi32, #tpu.memory_space<vmem>>, vector<1x16xi32>,
      %swap3A_296 = vector.shape_cast %swap3A_295 : vector<1x16xi32> to vector<16xi32>
      %swap3A_297 = vector.shape_cast %add3A_291 : vector<16xi32> to vector<1x16xi32>
      tpu.vector_store %arg8[%swap3A_293, %swap3A_294], %swap3A_297 {strides = array<i32>} : memref<5x80xi32, #tpu.memory_space<vmem>>, vector<1x16xi32>,
      %add3A_298 = arith.constant 128 : i32
      %add3A_299 = vector.broadcast %add3A_298 : i32 to vector<16xi32>
      %add3A_300 = arith.addi %add3A_299, %iota3A : vector<16xi32>
      %ge3A_301 = arith.constant 200 : i32
      %ge3A_302 = vector.broadcast %ge3A_301 : i32 to vector<16xi32>
      %ge3A_303 = arith.cmpi sge, %add3A_300, %ge3A_302 : vector<16xi32>
      %jit3A_304 = arith.constant 200 : i32
      %jit3A_305 = arith.constant 0 : i32
      %broadcast_in_dim3A_306 = vector.broadcast %jit3A_304 : i32 to vector<16xi32>
      %broadcast_in_dim3A_307 = vector.broadcast %jit3A_305 : i32 to vector<16xi32>
      %select_n3A_308 = arith.select %ge3A_303, %broadcast_in_dim3A_306, %broadcast_in_dim3A_307 : vector<16xi1>, vector<16xi32>
      %sub3A_309 = arith.subi %add3A_300, %select_n3A_308 : vector<16xi32>
      %get3A_310 = arith.constant 1 : i32
      %get3A_311 = arith.index_cast %get3A_310 : i32 to index
      %get3A_312 = arith.constant 48 : index
      %get3A_313 = tpu.vector_load %arg6[%get3A_311, %get3A_312] {strides = array<i32>} : memref<5x80xi32, #tpu.memory_space<vmem>>, vector<1x16xi32>,
      %get3A_314 = vector.shape_cast %get3A_313 : vector<1x16xi32> to vector<16xi32>
      %eq3A_315 = arith.constant 0 : i32
      %eq3A_316 = vector.broadcast %eq3A_315 : i32 to vector<16xi32>
      %eq3A_317 = arith.cmpi eq, %get3A_314, %eq3A_316 : vector<16xi32>
      %jit3A_318 = arith.constant 200 : i32
      %jit3A_319 = arith.constant 0 : i32
      %broadcast_in_dim3A_320 = vector.broadcast %jit3A_318 : i32 to vector<16xi32>
      %broadcast_in_dim3A_321 = vector.broadcast %jit3A_319 : i32 to vector<16xi32>
      %select_n3A_322 = arith.select %eq3A_317, %broadcast_in_dim3A_320, %broadcast_in_dim3A_321 : vector<16xi1>, vector<16xi32>
      %add3A_323 = arith.addi %sub3A_309, %select_n3A_322 : vector<16xi32>
      %swap3A_324 = arith.constant 1 : i32
      %swap3A_325 = arith.index_cast %swap3A_324 : i32 to index
      %swap3A_326 = arith.constant 48 : index
      %swap3A_327 = tpu.vector_load %arg8[%swap3A_325, %swap3A_326] {strides = array<i32>} : memref<5x80xi32, #tpu.memory_space<vmem>>, vector<1x16xi32>,
      %swap3A_328 = vector.shape_cast %swap3A_327 : vector<1x16xi32> to vector<16xi32>
      %swap3A_329 = vector.shape_cast %add3A_323 : vector<16xi32> to vector<1x16xi32>
      tpu.vector_store %arg8[%swap3A_325, %swap3A_326], %swap3A_329 {strides = array<i32>} : memref<5x80xi32, #tpu.memory_space<vmem>>, vector<1x16xi32>,
      %add3A_330 = arith.constant 144 : i32
      %add3A_331 = vector.broadcast %add3A_330 : i32 to vector<16xi32>
      %add3A_332 = arith.addi %add3A_331, %iota3A : vector<16xi32>
      %ge3A_333 = arith.constant 200 : i32
      %ge3A_334 = vector.broadcast %ge3A_333 : i32 to vector<16xi32>
      %ge3A_335 = arith.cmpi sge, %add3A_332, %ge3A_334 : vector<16xi32>
      %jit3A_336 = arith.constant 200 : i32
      %jit3A_337 = arith.constant 0 : i32
      %broadcast_in_dim3A_338 = vector.broadcast %jit3A_336 : i32 to vector<16xi32>
      %broadcast_in_dim3A_339 = vector.broadcast %jit3A_337 : i32 to vector<16xi32>
      %select_n3A_340 = arith.select %ge3A_335, %broadcast_in_dim3A_338, %broadcast_in_dim3A_339 : vector<16xi1>, vector<16xi32>
      %sub3A_341 = arith.subi %add3A_332, %select_n3A_340 : vector<16xi32>
      %get3A_342 = arith.constant 1 : i32
      %get3A_343 = arith.index_cast %get3A_342 : i32 to index
      %get3A_344 = arith.constant 64 : index
      %get3A_345 = tpu.vector_load %arg6[%get3A_343, %get3A_344] {strides = array<i32>} : memref<5x80xi32, #tpu.memory_space<vmem>>, vector<1x16xi32>,
      %get3A_346 = vector.shape_cast %get3A_345 : vector<1x16xi32> to vector<16xi32>
      %eq3A_347 = arith.constant 0 : i32
      %eq3A_348 = vector.broadcast %eq3A_347 : i32 to vector<16xi32>
      %eq3A_349 = arith.cmpi eq, %get3A_346, %eq3A_348 : vector<16xi32>
      %jit3A_350 = arith.constant 200 : i32
      %jit3A_351 = arith.constant 0 : i32
      %broadcast_in_dim3A_352 = vector.broadcast %jit3A_350 : i32 to vector<16xi32>
      %broadcast_in_dim3A_353 = vector.broadcast %jit3A_351 : i32 to vector<16xi32>
      %select_n3A_354 = arith.select %eq3A_349, %broadcast_in_dim3A_352, %broadcast_in_dim3A_353 : vector<16xi1>, vector<16xi32>
      %add3A_355 = arith.addi %sub3A_341, %select_n3A_354 : vector<16xi32>
      %swap3A_356 = arith.constant 1 : i32
      %swap3A_357 = arith.index_cast %swap3A_356 : i32 to index
      %swap3A_358 = arith.constant 64 : index
      %swap3A_359 = tpu.vector_load %arg8[%swap3A_357, %swap3A_358] {strides = array<i32>} : memref<5x80xi32, #tpu.memory_space<vmem>>, vector<1x16xi32>,
      %swap3A_360 = vector.shape_cast %swap3A_359 : vector<1x16xi32> to vector<16xi32>
      %swap3A_361 = vector.shape_cast %add3A_355 : vector<16xi32> to vector<1x16xi32>
      tpu.vector_store %arg8[%swap3A_357, %swap3A_358], %swap3A_361 {strides = array<i32>} : memref<5x80xi32, #tpu.memory_space<vmem>>, vector<1x16xi32>,
      %add3A_362 = arith.constant 160 : i32
      %add3A_363 = vector.broadcast %add3A_362 : i32 to vector<16xi32>
      %add3A_364 = arith.addi %add3A_363, %iota3A : vector<16xi32>
      %ge3A_365 = arith.constant 200 : i32
      %ge3A_366 = vector.broadcast %ge3A_365 : i32 to vector<16xi32>
      %ge3A_367 = arith.cmpi sge, %add3A_364, %ge3A_366 : vector<16xi32>
      %jit3A_368 = arith.constant 200 : i32
      %jit3A_369 = arith.constant 0 : i32
      %broadcast_in_dim3A_370 = vector.broadcast %jit3A_368 : i32 to vector<16xi32>
      %broadcast_in_dim3A_371 = vector.broadcast %jit3A_369 : i32 to vector<16xi32>
      %select_n3A_372 = arith.select %ge3A_367, %broadcast_in_dim3A_370, %broadcast_in_dim3A_371 : vector<16xi1>, vector<16xi32>
      %sub3A_373 = arith.subi %add3A_364, %select_n3A_372 : vector<16xi32>
      %get3A_374 = arith.constant 2 : i32
      %get3A_375 = arith.index_cast %get3A_374 : i32 to index
      %get3A_376 = arith.constant 0 : index
      %get3A_377 = tpu.vector_load %arg6[%get3A_375, %get3A_376] {strides = array<i32>} : memref<5x80xi32, #tpu.memory_space<vmem>>, vector<1x16xi32>,
      %get3A_378 = vector.shape_cast %get3A_377 : vector<1x16xi32> to vector<16xi32>
      %eq3A_379 = arith.constant 0 : i32
      %eq3A_380 = vector.broadcast %eq3A_379 : i32 to vector<16xi32>
      %eq3A_381 = arith.cmpi eq, %get3A_378, %eq3A_380 : vector<16xi32>
      %jit3A_382 = arith.constant 200 : i32
      %jit3A_383 = arith.constant 0 : i32
      %broadcast_in_dim3A_384 = vector.broadcast %jit3A_382 : i32 to vector<16xi32>
      %broadcast_in_dim3A_385 = vector.broadcast %jit3A_383 : i32 to vector<16xi32>
      %select_n3A_386 = arith.select %eq3A_381, %broadcast_in_dim3A_384, %broadcast_in_dim3A_385 : vector<16xi1>, vector<16xi32>
      %add3A_387 = arith.addi %sub3A_373, %select_n3A_386 : vector<16xi32>
      %swap3A_388 = arith.constant 2 : i32
      %swap3A_389 = arith.index_cast %swap3A_388 : i32 to index
      %swap3A_390 = arith.constant 0 : index
      %swap3A_391 = tpu.vector_load %arg8[%swap3A_389, %swap3A_390] {strides = array<i32>} : memref<5x80xi32, #tpu.memory_space<vmem>>, vector<1x16xi32>,
      %swap3A_392 = vector.shape_cast %swap3A_391 : vector<1x16xi32> to vector<16xi32>
      %swap3A_393 = vector.shape_cast %add3A_387 : vector<16xi32> to vector<1x16xi32>
      tpu.vector_store %arg8[%swap3A_389, %swap3A_390], %swap3A_393 {strides = array<i32>} : memref<5x80xi32, #tpu.memory_space<vmem>>, vector<1x16xi32>,
      %add3A_394 = arith.constant 176 : i32
      %add3A_395 = vector.broadcast %add3A_394 : i32 to vector<16xi32>
      %add3A_396 = arith.addi %add3A_395, %iota3A : vector<16xi32>
      %ge3A_397 = arith.constant 200 : i32
      %ge3A_398 = vector.broadcast %ge3A_397 : i32 to vector<16xi32>
      %ge3A_399 = arith.cmpi sge, %add3A_396, %ge3A_398 : vector<16xi32>
      %jit3A_400 = arith.constant 200 : i32
      %jit3A_401 = arith.constant 0 : i32
      %broadcast_in_dim3A_402 = vector.broadcast %jit3A_400 : i32 to vector<16xi32>
      %broadcast_in_dim3A_403 = vector.broadcast %jit3A_401 : i32 to vector<16xi32>
      %select_n3A_404 = arith.select %ge3A_399, %broadcast_in_dim3A_402, %broadcast_in_dim3A_403 : vector<16xi1>, vector<16xi32>
      %sub3A_405 = arith.subi %add3A_396, %select_n3A_404 : vector<16xi32>
      %get3A_406 = arith.constant 2 : i32
      %get3A_407 = arith.index_cast %get3A_406 : i32 to index
      %get3A_408 = arith.constant 16 : index
      %get3A_409 = tpu.vector_load %arg6[%get3A_407, %get3A_408] {strides = array<i32>} : memref<5x80xi32, #tpu.memory_space<vmem>>, vector<1x16xi32>,
      %get3A_410 = vector.shape_cast %get3A_409 : vector<1x16xi32> to vector<16xi32>
      %eq3A_411 = arith.constant 0 : i32
      %eq3A_412 = vector.broadcast %eq3A_411 : i32 to vector<16xi32>
      %eq3A_413 = arith.cmpi eq, %get3A_410, %eq3A_412 : vector<16xi32>
      %jit3A_414 = arith.constant 200 : i32
      %jit3A_415 = arith.constant 0 : i32
      %broadcast_in_dim3A_416 = vector.broadcast %jit3A_414 : i32 to vector<16xi32>
      %broadcast_in_dim3A_417 = vector.broadcast %jit3A_415 : i32 to vector<16xi32>
      %select_n3A_418 = arith.select %eq3A_413, %broadcast_in_dim3A_416, %broadcast_in_dim3A_417 : vector<16xi1>, vector<16xi32>
      %add3A_419 = arith.addi %sub3A_405, %select_n3A_418 : vector<16xi32>
      %swap3A_420 = arith.constant 2 : i32
      %swap3A_421 = arith.index_cast %swap3A_420 : i32 to index
      %swap3A_422 = arith.constant 16 : index
      %swap3A_423 = tpu.vector_load %arg8[%swap3A_421, %swap3A_422] {strides = array<i32>} : memref<5x80xi32, #tpu.memory_space<vmem>>, vector<1x16xi32>,
      %swap3A_424 = vector.shape_cast %swap3A_423 : vector<1x16xi32> to vector<16xi32>
      %swap3A_425 = vector.shape_cast %add3A_419 : vector<16xi32> to vector<1x16xi32>
      tpu.vector_store %arg8[%swap3A_421, %swap3A_422], %swap3A_425 {strides = array<i32>} : memref<5x80xi32, #tpu.memory_space<vmem>>, vector<1x16xi32>,
      %add3A_426 = arith.constant 192 : i32
      %add3A_427 = vector.broadcast %add3A_426 : i32 to vector<16xi32>
      %add3A_428 = arith.addi %add3A_427, %iota3A : vector<16xi32>
      %ge3A_429 = arith.constant 200 : i32
      %ge3A_430 = vector.broadcast %ge3A_429 : i32 to vector<16xi32>
      %ge3A_431 = arith.cmpi sge, %add3A_428, %ge3A_430 : vector<16xi32>
      %jit3A_432 = arith.constant 200 : i32
      %jit3A_433 = arith.constant 0 : i32
      %broadcast_in_dim3A_434 = vector.broadcast %jit3A_432 : i32 to vector<16xi32>
      %broadcast_in_dim3A_435 = vector.broadcast %jit3A_433 : i32 to vector<16xi32>
      %select_n3A_436 = arith.select %ge3A_431, %broadcast_in_dim3A_434, %broadcast_in_dim3A_435 : vector<16xi1>, vector<16xi32>
      %sub3A_437 = arith.subi %add3A_428, %select_n3A_436 : vector<16xi32>
      %get3A_438 = arith.constant 2 : i32
      %get3A_439 = arith.index_cast %get3A_438 : i32 to index
      %get3A_440 = arith.constant 32 : index
      %get3A_441 = tpu.vector_load %arg6[%get3A_439, %get3A_440] {strides = array<i32>} : memref<5x80xi32, #tpu.memory_space<vmem>>, vector<1x16xi32>,
      %get3A_442 = vector.shape_cast %get3A_441 : vector<1x16xi32> to vector<16xi32>
      %eq3A_443 = arith.constant 0 : i32
      %eq3A_444 = vector.broadcast %eq3A_443 : i32 to vector<16xi32>
      %eq3A_445 = arith.cmpi eq, %get3A_442, %eq3A_444 : vector<16xi32>
      %jit3A_446 = arith.constant 200 : i32
      %jit3A_447 = arith.constant 0 : i32
      %broadcast_in_dim3A_448 = vector.broadcast %jit3A_446 : i32 to vector<16xi32>
      %broadcast_in_dim3A_449 = vector.broadcast %jit3A_447 : i32 to vector<16xi32>
      %select_n3A_450 = arith.select %eq3A_445, %broadcast_in_dim3A_448, %broadcast_in_dim3A_449 : vector<16xi1>, vector<16xi32>
      %add3A_451 = arith.addi %sub3A_437, %select_n3A_450 : vector<16xi32>
      %swap3A_452 = arith.constant 2 : i32
      %swap3A_453 = arith.index_cast %swap3A_452 : i32 to index
      %swap3A_454 = arith.constant 32 : index
      %swap3A_455 = tpu.vector_load %arg8[%swap3A_453, %swap3A_454] {strides = array<i32>} : memref<5x80xi32, #tpu.memory_space<vmem>>, vector<1x16xi32>,
      %swap3A_456 = vector.shape_cast %swap3A_455 : vector<1x16xi32> to vector<16xi32>
      %swap3A_457 = vector.shape_cast %add3A_451 : vector<16xi32> to vector<1x16xi32>
      tpu.vector_store %arg8[%swap3A_453, %swap3A_454], %swap3A_457 {strides = array<i32>} : memref<5x80xi32, #tpu.memory_space<vmem>>, vector<1x16xi32>,
      %add3A_458 = arith.constant 208 : i32
      %add3A_459 = vector.broadcast %add3A_458 : i32 to vector<16xi32>
      %add3A_460 = arith.addi %add3A_459, %iota3A : vector<16xi32>
      %ge3A_461 = arith.constant 200 : i32
      %ge3A_462 = vector.broadcast %ge3A_461 : i32 to vector<16xi32>
      %ge3A_463 = arith.cmpi sge, %add3A_460, %ge3A_462 : vector<16xi32>
      %jit3A_464 = arith.constant 200 : i32
      %jit3A_465 = arith.constant 0 : i32
      %broadcast_in_dim3A_466 = vector.broadcast %jit3A_464 : i32 to vector<16xi32>
      %broadcast_in_dim3A_467 = vector.broadcast %jit3A_465 : i32 to vector<16xi32>
      %select_n3A_468 = arith.select %ge3A_463, %broadcast_in_dim3A_466, %broadcast_in_dim3A_467 : vector<16xi1>, vector<16xi32>
      %sub3A_469 = arith.subi %add3A_460, %select_n3A_468 : vector<16xi32>
      %get3A_470 = arith.constant 2 : i32
      %get3A_471 = arith.index_cast %get3A_470 : i32 to index
      %get3A_472 = arith.constant 48 : index
      %get3A_473 = tpu.vector_load %arg6[%get3A_471, %get3A_472] {strides = array<i32>} : memref<5x80xi32, #tpu.memory_space<vmem>>, vector<1x16xi32>,
      %get3A_474 = vector.shape_cast %get3A_473 : vector<1x16xi32> to vector<16xi32>
      %eq3A_475 = arith.constant 0 : i32
      %eq3A_476 = vector.broadcast %eq3A_475 : i32 to vector<16xi32>
      %eq3A_477 = arith.cmpi eq, %get3A_474, %eq3A_476 : vector<16xi32>
      %jit3A_478 = arith.constant 200 : i32
      %jit3A_479 = arith.constant 0 : i32
      %broadcast_in_dim3A_480 = vector.broadcast %jit3A_478 : i32 to vector<16xi32>
      %broadcast_in_dim3A_481 = vector.broadcast %jit3A_479 : i32 to vector<16xi32>
      %select_n3A_482 = arith.select %eq3A_477, %broadcast_in_dim3A_480, %broadcast_in_dim3A_481 : vector<16xi1>, vector<16xi32>
      %add3A_483 = arith.addi %sub3A_469, %select_n3A_482 : vector<16xi32>
      %swap3A_484 = arith.constant 2 : i32
      %swap3A_485 = arith.index_cast %swap3A_484 : i32 to index
      %swap3A_486 = arith.constant 48 : index
      %swap3A_487 = tpu.vector_load %arg8[%swap3A_485, %swap3A_486] {strides = array<i32>} : memref<5x80xi32, #tpu.memory_space<vmem>>, vector<1x16xi32>,
      %swap3A_488 = vector.shape_cast %swap3A_487 : vector<1x16xi32> to vector<16xi32>
      %swap3A_489 = vector.shape_cast %add3A_483 : vector<16xi32> to vector<1x16xi32>
      tpu.vector_store %arg8[%swap3A_485, %swap3A_486], %swap3A_489 {strides = array<i32>} : memref<5x80xi32, #tpu.memory_space<vmem>>, vector<1x16xi32>,
      %add3A_490 = arith.constant 224 : i32
      %add3A_491 = vector.broadcast %add3A_490 : i32 to vector<16xi32>
      %add3A_492 = arith.addi %add3A_491, %iota3A : vector<16xi32>
      %ge3A_493 = arith.constant 200 : i32
      %ge3A_494 = vector.broadcast %ge3A_493 : i32 to vector<16xi32>
      %ge3A_495 = arith.cmpi sge, %add3A_492, %ge3A_494 : vector<16xi32>
      %jit3A_496 = arith.constant 200 : i32
      %jit3A_497 = arith.constant 0 : i32
      %broadcast_in_dim3A_498 = vector.broadcast %jit3A_496 : i32 to vector<16xi32>
      %broadcast_in_dim3A_499 = vector.broadcast %jit3A_497 : i32 to vector<16xi32>
      %select_n3A_500 = arith.select %ge3A_495, %broadcast_in_dim3A_498, %broadcast_in_dim3A_499 : vector<16xi1>, vector<16xi32>
      %sub3A_501 = arith.subi %add3A_492, %select_n3A_500 : vector<16xi32>
      %get3A_502 = arith.constant 2 : i32
      %get3A_503 = arith.index_cast %get3A_502 : i32 to index
      %get3A_504 = arith.constant 64 : index
      %get3A_505 = tpu.vector_load %arg6[%get3A_503, %get3A_504] {strides = array<i32>} : memref<5x80xi32, #tpu.memory_space<vmem>>, vector<1x16xi32>,
      %get3A_506 = vector.shape_cast %get3A_505 : vector<1x16xi32> to vector<16xi32>
      %eq3A_507 = arith.constant 0 : i32
      %eq3A_508 = vector.broadcast %eq3A_507 : i32 to vector<16xi32>
      %eq3A_509 = arith.cmpi eq, %get3A_506, %eq3A_508 : vector<16xi32>
      %jit3A_510 = arith.constant 200 : i32
      %jit3A_511 = arith.constant 0 : i32
      %broadcast_in_dim3A_512 = vector.broadcast %jit3A_510 : i32 to vector<16xi32>
      %broadcast_in_dim3A_513 = vector.broadcast %jit3A_511 : i32 to vector<16xi32>
      %select_n3A_514 = arith.select %eq3A_509, %broadcast_in_dim3A_512, %broadcast_in_dim3A_513 : vector<16xi1>, vector<16xi32>
      %add3A_515 = arith.addi %sub3A_501, %select_n3A_514 : vector<16xi32>
      %swap3A_516 = arith.constant 2 : i32
      %swap3A_517 = arith.index_cast %swap3A_516 : i32 to index
      %swap3A_518 = arith.constant 64 : index
      %swap3A_519 = tpu.vector_load %arg8[%swap3A_517, %swap3A_518] {strides = array<i32>} : memref<5x80xi32, #tpu.memory_space<vmem>>, vector<1x16xi32>,
      %swap3A_520 = vector.shape_cast %swap3A_519 : vector<1x16xi32> to vector<16xi32>
      %swap3A_521 = vector.shape_cast %add3A_515 : vector<16xi32> to vector<1x16xi32>
      tpu.vector_store %arg8[%swap3A_517, %swap3A_518], %swap3A_521 {strides = array<i32>} : memref<5x80xi32, #tpu.memory_space<vmem>>, vector<1x16xi32>,
      %add3A_522 = arith.constant 240 : i32
      %add3A_523 = vector.broadcast %add3A_522 : i32 to vector<16xi32>
      %add3A_524 = arith.addi %add3A_523, %iota3A : vector<16xi32>
      %ge3A_525 = arith.constant 200 : i32
      %ge3A_526 = vector.broadcast %ge3A_525 : i32 to vector<16xi32>
      %ge3A_527 = arith.cmpi sge, %add3A_524, %ge3A_526 : vector<16xi32>
      %jit3A_528 = arith.constant 200 : i32
      %jit3A_529 = arith.constant 0 : i32
      %broadcast_in_dim3A_530 = vector.broadcast %jit3A_528 : i32 to vector<16xi32>
      %broadcast_in_dim3A_531 = vector.broadcast %jit3A_529 : i32 to vector<16xi32>
      %select_n3A_532 = arith.select %ge3A_527, %broadcast_in_dim3A_530, %broadcast_in_dim3A_531 : vector<16xi1>, vector<16xi32>
      %sub3A_533 = arith.subi %add3A_524, %select_n3A_532 : vector<16xi32>
      %get3A_534 = arith.constant 3 : i32
      %get3A_535 = arith.index_cast %get3A_534 : i32 to index
      %get3A_536 = arith.constant 0 : index
      %get3A_537 = tpu.vector_load %arg6[%get3A_535, %get3A_536] {strides = array<i32>} : memref<5x80xi32, #tpu.memory_space<vmem>>, vector<1x16xi32>,
      %get3A_538 = vector.shape_cast %get3A_537 : vector<1x16xi32> to vector<16xi32>
      %eq3A_539 = arith.constant 0 : i32
      %eq3A_540 = vector.broadcast %eq3A_539 : i32 to vector<16xi32>
      %eq3A_541 = arith.cmpi eq, %get3A_538, %eq3A_540 : vector<16xi32>
      %jit3A_542 = arith.constant 200 : i32
      %jit3A_543 = arith.constant 0 : i32
      %broadcast_in_dim3A_544 = vector.broadcast %jit3A_542 : i32 to vector<16xi32>
      %broadcast_in_dim3A_545 = vector.broadcast %jit3A_543 : i32 to vector<16xi32>
      %select_n3A_546 = arith.select %eq3A_541, %broadcast_in_dim3A_544, %broadcast_in_dim3A_545 : vector<16xi1>, vector<16xi32>
      %add3A_547 = arith.addi %sub3A_533, %select_n3A_546 : vector<16xi32>
      %swap3A_548 = arith.constant 3 : i32
      %swap3A_549 = arith.index_cast %swap3A_548 : i32 to index
      %swap3A_550 = arith.constant 0 : index
      %swap3A_551 = tpu.vector_load %arg8[%swap3A_549, %swap3A_550] {strides = array<i32>} : memref<5x80xi32, #tpu.memory_space<vmem>>, vector<1x16xi32>,
      %swap3A_552 = vector.shape_cast %swap3A_551 : vector<1x16xi32> to vector<16xi32>
      %swap3A_553 = vector.shape_cast %add3A_547 : vector<16xi32> to vector<1x16xi32>
      tpu.vector_store %arg8[%swap3A_549, %swap3A_550], %swap3A_553 {strides = array<i32>} : memref<5x80xi32, #tpu.memory_space<vmem>>, vector<1x16xi32>,
      %add3A_554 = arith.constant 256 : i32
      %add3A_555 = vector.broadcast %add3A_554 : i32 to vector<16xi32>
      %add3A_556 = arith.addi %add3A_555, %iota3A : vector<16xi32>
      %ge3A_557 = arith.constant 200 : i32
      %ge3A_558 = vector.broadcast %ge3A_557 : i32 to vector<16xi32>
      %ge3A_559 = arith.cmpi sge, %add3A_556, %ge3A_558 : vector<16xi32>
      %jit3A_560 = arith.constant 200 : i32
      %jit3A_561 = arith.constant 0 : i32
      %broadcast_in_dim3A_562 = vector.broadcast %jit3A_560 : i32 to vector<16xi32>
      %broadcast_in_dim3A_563 = vector.broadcast %jit3A_561 : i32 to vector<16xi32>
      %select_n3A_564 = arith.select %ge3A_559, %broadcast_in_dim3A_562, %broadcast_in_dim3A_563 : vector<16xi1>, vector<16xi32>
      %sub3A_565 = arith.subi %add3A_556, %select_n3A_564 : vector<16xi32>
      %get3A_566 = arith.constant 3 : i32
      %get3A_567 = arith.index_cast %get3A_566 : i32 to index
      %get3A_568 = arith.constant 16 : index
      %get3A_569 = tpu.vector_load %arg6[%get3A_567, %get3A_568] {strides = array<i32>} : memref<5x80xi32, #tpu.memory_space<vmem>>, vector<1x16xi32>,
      %get3A_570 = vector.shape_cast %get3A_569 : vector<1x16xi32> to vector<16xi32>
      %eq3A_571 = arith.constant 0 : i32
      %eq3A_572 = vector.broadcast %eq3A_571 : i32 to vector<16xi32>
      %eq3A_573 = arith.cmpi eq, %get3A_570, %eq3A_572 : vector<16xi32>
      %jit3A_574 = arith.constant 200 : i32
      %jit3A_575 = arith.constant 0 : i32
      %broadcast_in_dim3A_576 = vector.broadcast %jit3A_574 : i32 to vector<16xi32>
      %broadcast_in_dim3A_577 = vector.broadcast %jit3A_575 : i32 to vector<16xi32>
      %select_n3A_578 = arith.select %eq3A_573, %broadcast_in_dim3A_576, %broadcast_in_dim3A_577 : vector<16xi1>, vector<16xi32>
      %add3A_579 = arith.addi %sub3A_565, %select_n3A_578 : vector<16xi32>
      %swap3A_580 = arith.constant 3 : i32
      %swap3A_581 = arith.index_cast %swap3A_580 : i32 to index
      %swap3A_582 = arith.constant 16 : index
      %swap3A_583 = tpu.vector_load %arg8[%swap3A_581, %swap3A_582] {strides = array<i32>} : memref<5x80xi32, #tpu.memory_space<vmem>>, vector<1x16xi32>,
      %swap3A_584 = vector.shape_cast %swap3A_583 : vector<1x16xi32> to vector<16xi32>
      %swap3A_585 = vector.shape_cast %add3A_579 : vector<16xi32> to vector<1x16xi32>
      tpu.vector_store %arg8[%swap3A_581, %swap3A_582], %swap3A_585 {strides = array<i32>} : memref<5x80xi32, #tpu.memory_space<vmem>>, vector<1x16xi32>,
      %add3A_586 = arith.constant 272 : i32
      %add3A_587 = vector.broadcast %add3A_586 : i32 to vector<16xi32>
      %add3A_588 = arith.addi %add3A_587, %iota3A : vector<16xi32>
      %ge3A_589 = arith.constant 200 : i32
      %ge3A_590 = vector.broadcast %ge3A_589 : i32 to vector<16xi32>
      %ge3A_591 = arith.cmpi sge, %add3A_588, %ge3A_590 : vector<16xi32>
      %jit3A_592 = arith.constant 200 : i32
      %jit3A_593 = arith.constant 0 : i32
      %broadcast_in_dim3A_594 = vector.broadcast %jit3A_592 : i32 to vector<16xi32>
      %broadcast_in_dim3A_595 = vector.broadcast %jit3A_593 : i32 to vector<16xi32>
      %select_n3A_596 = arith.select %ge3A_591, %broadcast_in_dim3A_594, %broadcast_in_dim3A_595 : vector<16xi1>, vector<16xi32>
      %sub3A_597 = arith.subi %add3A_588, %select_n3A_596 : vector<16xi32>
      %get3A_598 = arith.constant 3 : i32
      %get3A_599 = arith.index_cast %get3A_598 : i32 to index
      %get3A_600 = arith.constant 32 : index
      %get3A_601 = tpu.vector_load %arg6[%get3A_599, %get3A_600] {strides = array<i32>} : memref<5x80xi32, #tpu.memory_space<vmem>>, vector<1x16xi32>,
      %get3A_602 = vector.shape_cast %get3A_601 : vector<1x16xi32> to vector<16xi32>
      %eq3A_603 = arith.constant 0 : i32
      %eq3A_604 = vector.broadcast %eq3A_603 : i32 to vector<16xi32>
      %eq3A_605 = arith.cmpi eq, %get3A_602, %eq3A_604 : vector<16xi32>
      %jit3A_606 = arith.constant 200 : i32
      %jit3A_607 = arith.constant 0 : i32
      %broadcast_in_dim3A_608 = vector.broadcast %jit3A_606 : i32 to vector<16xi32>
      %broadcast_in_dim3A_609 = vector.broadcast %jit3A_607 : i32 to vector<16xi32>
      %select_n3A_610 = arith.select %eq3A_605, %broadcast_in_dim3A_608, %broadcast_in_dim3A_609 : vector<16xi1>, vector<16xi32>
      %add3A_611 = arith.addi %sub3A_597, %select_n3A_610 : vector<16xi32>
      %swap3A_612 = arith.constant 3 : i32
      %swap3A_613 = arith.index_cast %swap3A_612 : i32 to index
      %swap3A_614 = arith.constant 32 : index
      %swap3A_615 = tpu.vector_load %arg8[%swap3A_613, %swap3A_614] {strides = array<i32>} : memref<5x80xi32, #tpu.memory_space<vmem>>, vector<1x16xi32>,
      %swap3A_616 = vector.shape_cast %swap3A_615 : vector<1x16xi32> to vector<16xi32>
      %swap3A_617 = vector.shape_cast %add3A_611 : vector<16xi32> to vector<1x16xi32>
      tpu.vector_store %arg8[%swap3A_613, %swap3A_614], %swap3A_617 {strides = array<i32>} : memref<5x80xi32, #tpu.memory_space<vmem>>, vector<1x16xi32>,
      %add3A_618 = arith.constant 288 : i32
      %add3A_619 = vector.broadcast %add3A_618 : i32 to vector<16xi32>
      %add3A_620 = arith.addi %add3A_619, %iota3A : vector<16xi32>
      %ge3A_621 = arith.constant 200 : i32
      %ge3A_622 = vector.broadcast %ge3A_621 : i32 to vector<16xi32>
      %ge3A_623 = arith.cmpi sge, %add3A_620, %ge3A_622 : vector<16xi32>
      %jit3A_624 = arith.constant 200 : i32
      %jit3A_625 = arith.constant 0 : i32
      %broadcast_in_dim3A_626 = vector.broadcast %jit3A_624 : i32 to vector<16xi32>
      %broadcast_in_dim3A_627 = vector.broadcast %jit3A_625 : i32 to vector<16xi32>
      %select_n3A_628 = arith.select %ge3A_623, %broadcast_in_dim3A_626, %broadcast_in_dim3A_627 : vector<16xi1>, vector<16xi32>
      %sub3A_629 = arith.subi %add3A_620, %select_n3A_628 : vector<16xi32>
      %get3A_630 = arith.constant 3 : i32
      %get3A_631 = arith.index_cast %get3A_630 : i32 to index
      %get3A_632 = arith.constant 48 : index
      %get3A_633 = tpu.vector_load %arg6[%get3A_631, %get3A_632] {strides = array<i32>} : memref<5x80xi32, #tpu.memory_space<vmem>>, vector<1x16xi32>,
      %get3A_634 = vector.shape_cast %get3A_633 : vector<1x16xi32> to vector<16xi32>
      %eq3A_635 = arith.constant 0 : i32
      %eq3A_636 = vector.broadcast %eq3A_635 : i32 to vector<16xi32>
      %eq3A_637 = arith.cmpi eq, %get3A_634, %eq3A_636 : vector<16xi32>
      %jit3A_638 = arith.constant 200 : i32
      %jit3A_639 = arith.constant 0 : i32
      %broadcast_in_dim3A_640 = vector.broadcast %jit3A_638 : i32 to vector<16xi32>
      %broadcast_in_dim3A_641 = vector.broadcast %jit3A_639 : i32 to vector<16xi32>
      %select_n3A_642 = arith.select %eq3A_637, %broadcast_in_dim3A_640, %broadcast_in_dim3A_641 : vector<16xi1>, vector<16xi32>
      %add3A_643 = arith.addi %sub3A_629, %select_n3A_642 : vector<16xi32>
      %swap3A_644 = arith.constant 3 : i32
      %swap3A_645 = arith.index_cast %swap3A_644 : i32 to index
      %swap3A_646 = arith.constant 48 : index
      %swap3A_647 = tpu.vector_load %arg8[%swap3A_645, %swap3A_646] {strides = array<i32>} : memref<5x80xi32, #tpu.memory_space<vmem>>, vector<1x16xi32>,
      %swap3A_648 = vector.shape_cast %swap3A_647 : vector<1x16xi32> to vector<16xi32>
      %swap3A_649 = vector.shape_cast %add3A_643 : vector<16xi32> to vector<1x16xi32>
      tpu.vector_store %arg8[%swap3A_645, %swap3A_646], %swap3A_649 {strides = array<i32>} : memref<5x80xi32, #tpu.memory_space<vmem>>, vector<1x16xi32>,
      %add3A_650 = arith.constant 304 : i32
      %add3A_651 = vector.broadcast %add3A_650 : i32 to vector<16xi32>
      %add3A_652 = arith.addi %add3A_651, %iota3A : vector<16xi32>
      %ge3A_653 = arith.constant 200 : i32
      %ge3A_654 = vector.broadcast %ge3A_653 : i32 to vector<16xi32>
      %ge3A_655 = arith.cmpi sge, %add3A_652, %ge3A_654 : vector<16xi32>
      %jit3A_656 = arith.constant 200 : i32
      %jit3A_657 = arith.constant 0 : i32
      %broadcast_in_dim3A_658 = vector.broadcast %jit3A_656 : i32 to vector<16xi32>
      %broadcast_in_dim3A_659 = vector.broadcast %jit3A_657 : i32 to vector<16xi32>
      %select_n3A_660 = arith.select %ge3A_655, %broadcast_in_dim3A_658, %broadcast_in_dim3A_659 : vector<16xi1>, vector<16xi32>
      %sub3A_661 = arith.subi %add3A_652, %select_n3A_660 : vector<16xi32>
      %get3A_662 = arith.constant 3 : i32
      %get3A_663 = arith.index_cast %get3A_662 : i32 to index
      %get3A_664 = arith.constant 64 : index
      %get3A_665 = tpu.vector_load %arg6[%get3A_663, %get3A_664] {strides = array<i32>} : memref<5x80xi32, #tpu.memory_space<vmem>>, vector<1x16xi32>,
      %get3A_666 = vector.shape_cast %get3A_665 : vector<1x16xi32> to vector<16xi32>
      %eq3A_667 = arith.constant 0 : i32
      %eq3A_668 = vector.broadcast %eq3A_667 : i32 to vector<16xi32>
      %eq3A_669 = arith.cmpi eq, %get3A_666, %eq3A_668 : vector<16xi32>
      %jit3A_670 = arith.constant 200 : i32
      %jit3A_671 = arith.constant 0 : i32
      %broadcast_in_dim3A_672 = vector.broadcast %jit3A_670 : i32 to vector<16xi32>
      %broadcast_in_dim3A_673 = vector.broadcast %jit3A_671 : i32 to vector<16xi32>
      %select_n3A_674 = arith.select %eq3A_669, %broadcast_in_dim3A_672, %broadcast_in_dim3A_673 : vector<16xi1>, vector<16xi32>
      %add3A_675 = arith.addi %sub3A_661, %select_n3A_674 : vector<16xi32>
      %swap3A_676 = arith.constant 3 : i32
      %swap3A_677 = arith.index_cast %swap3A_676 : i32 to index
      %swap3A_678 = arith.constant 64 : index
      %swap3A_679 = tpu.vector_load %arg8[%swap3A_677, %swap3A_678] {strides = array<i32>} : memref<5x80xi32, #tpu.memory_space<vmem>>, vector<1x16xi32>,
      %swap3A_680 = vector.shape_cast %swap3A_679 : vector<1x16xi32> to vector<16xi32>
      %swap3A_681 = vector.shape_cast %add3A_675 : vector<16xi32> to vector<1x16xi32>
      tpu.vector_store %arg8[%swap3A_677, %swap3A_678], %swap3A_681 {strides = array<i32>} : memref<5x80xi32, #tpu.memory_space<vmem>>, vector<1x16xi32>,
      %add3A_682 = arith.constant 320 : i32
      %add3A_683 = vector.broadcast %add3A_682 : i32 to vector<16xi32>
      %add3A_684 = arith.addi %add3A_683, %iota3A : vector<16xi32>
      %ge3A_685 = arith.constant 200 : i32
      %ge3A_686 = vector.broadcast %ge3A_685 : i32 to vector<16xi32>
      %ge3A_687 = arith.cmpi sge, %add3A_684, %ge3A_686 : vector<16xi32>
      %jit3A_688 = arith.constant 200 : i32
      %jit3A_689 = arith.constant 0 : i32
      %broadcast_in_dim3A_690 = vector.broadcast %jit3A_688 : i32 to vector<16xi32>
      %broadcast_in_dim3A_691 = vector.broadcast %jit3A_689 : i32 to vector<16xi32>
      %select_n3A_692 = arith.select %ge3A_687, %broadcast_in_dim3A_690, %broadcast_in_dim3A_691 : vector<16xi1>, vector<16xi32>
      %sub3A_693 = arith.subi %add3A_684, %select_n3A_692 : vector<16xi32>
      %get3A_694 = arith.constant 4 : i32
      %get3A_695 = arith.index_cast %get3A_694 : i32 to index
      %get3A_696 = arith.constant 0 : index
      %get3A_697 = tpu.vector_load %arg6[%get3A_695, %get3A_696] {strides = array<i32>} : memref<5x80xi32, #tpu.memory_space<vmem>>, vector<1x16xi32>,
      %get3A_698 = vector.shape_cast %get3A_697 : vector<1x16xi32> to vector<16xi32>
      %eq3A_699 = arith.constant 0 : i32
      %eq3A_700 = vector.broadcast %eq3A_699 : i32 to vector<16xi32>
      %eq3A_701 = arith.cmpi eq, %get3A_698, %eq3A_700 : vector<16xi32>
      %jit3A_702 = arith.constant 200 : i32
      %jit3A_703 = arith.constant 0 : i32
      %broadcast_in_dim3A_704 = vector.broadcast %jit3A_702 : i32 to vector<16xi32>
      %broadcast_in_dim3A_705 = vector.broadcast %jit3A_703 : i32 to vector<16xi32>
      %select_n3A_706 = arith.select %eq3A_701, %broadcast_in_dim3A_704, %broadcast_in_dim3A_705 : vector<16xi1>, vector<16xi32>
      %add3A_707 = arith.addi %sub3A_693, %select_n3A_706 : vector<16xi32>
      %swap3A_708 = arith.constant 4 : i32
      %swap3A_709 = arith.index_cast %swap3A_708 : i32 to index
      %swap3A_710 = arith.constant 0 : index
      %swap3A_711 = tpu.vector_load %arg8[%swap3A_709, %swap3A_710] {strides = array<i32>} : memref<5x80xi32, #tpu.memory_space<vmem>>, vector<1x16xi32>,
      %swap3A_712 = vector.shape_cast %swap3A_711 : vector<1x16xi32> to vector<16xi32>
      %swap3A_713 = vector.shape_cast %add3A_707 : vector<16xi32> to vector<1x16xi32>
      tpu.vector_store %arg8[%swap3A_709, %swap3A_710], %swap3A_713 {strides = array<i32>} : memref<5x80xi32, #tpu.memory_space<vmem>>, vector<1x16xi32>,
      %add3A_714 = arith.constant 336 : i32
      %add3A_715 = vector.broadcast %add3A_714 : i32 to vector<16xi32>
      %add3A_716 = arith.addi %add3A_715, %iota3A : vector<16xi32>
      %ge3A_717 = arith.constant 200 : i32
      %ge3A_718 = vector.broadcast %ge3A_717 : i32 to vector<16xi32>
      %ge3A_719 = arith.cmpi sge, %add3A_716, %ge3A_718 : vector<16xi32>
      %jit3A_720 = arith.constant 200 : i32
      %jit3A_721 = arith.constant 0 : i32
      %broadcast_in_dim3A_722 = vector.broadcast %jit3A_720 : i32 to vector<16xi32>
      %broadcast_in_dim3A_723 = vector.broadcast %jit3A_721 : i32 to vector<16xi32>
      %select_n3A_724 = arith.select %ge3A_719, %broadcast_in_dim3A_722, %broadcast_in_dim3A_723 : vector<16xi1>, vector<16xi32>
      %sub3A_725 = arith.subi %add3A_716, %select_n3A_724 : vector<16xi32>
      %get3A_726 = arith.constant 4 : i32
      %get3A_727 = arith.index_cast %get3A_726 : i32 to index
      %get3A_728 = arith.constant 16 : index
      %get3A_729 = tpu.vector_load %arg6[%get3A_727, %get3A_728] {strides = array<i32>} : memref<5x80xi32, #tpu.memory_space<vmem>>, vector<1x16xi32>,
      %get3A_730 = vector.shape_cast %get3A_729 : vector<1x16xi32> to vector<16xi32>
      %eq3A_731 = arith.constant 0 : i32
      %eq3A_732 = vector.broadcast %eq3A_731 : i32 to vector<16xi32>
      %eq3A_733 = arith.cmpi eq, %get3A_730, %eq3A_732 : vector<16xi32>
      %jit3A_734 = arith.constant 200 : i32
      %jit3A_735 = arith.constant 0 : i32
      %broadcast_in_dim3A_736 = vector.broadcast %jit3A_734 : i32 to vector<16xi32>
      %broadcast_in_dim3A_737 = vector.broadcast %jit3A_735 : i32 to vector<16xi32>
      %select_n3A_738 = arith.select %eq3A_733, %broadcast_in_dim3A_736, %broadcast_in_dim3A_737 : vector<16xi1>, vector<16xi32>
      %add3A_739 = arith.addi %sub3A_725, %select_n3A_738 : vector<16xi32>
      %swap3A_740 = arith.constant 4 : i32
      %swap3A_741 = arith.index_cast %swap3A_740 : i32 to index
      %swap3A_742 = arith.constant 16 : index
      %swap3A_743 = tpu.vector_load %arg8[%swap3A_741, %swap3A_742] {strides = array<i32>} : memref<5x80xi32, #tpu.memory_space<vmem>>, vector<1x16xi32>,
      %swap3A_744 = vector.shape_cast %swap3A_743 : vector<1x16xi32> to vector<16xi32>
      %swap3A_745 = vector.shape_cast %add3A_739 : vector<16xi32> to vector<1x16xi32>
      tpu.vector_store %arg8[%swap3A_741, %swap3A_742], %swap3A_745 {strides = array<i32>} : memref<5x80xi32, #tpu.memory_space<vmem>>, vector<1x16xi32>,
      %add3A_746 = arith.constant 352 : i32
      %add3A_747 = vector.broadcast %add3A_746 : i32 to vector<16xi32>
      %add3A_748 = arith.addi %add3A_747, %iota3A : vector<16xi32>
      %ge3A_749 = arith.constant 200 : i32
      %ge3A_750 = vector.broadcast %ge3A_749 : i32 to vector<16xi32>
      %ge3A_751 = arith.cmpi sge, %add3A_748, %ge3A_750 : vector<16xi32>
      %jit3A_752 = arith.constant 200 : i32
      %jit3A_753 = arith.constant 0 : i32
      %broadcast_in_dim3A_754 = vector.broadcast %jit3A_752 : i32 to vector<16xi32>
      %broadcast_in_dim3A_755 = vector.broadcast %jit3A_753 : i32 to vector<16xi32>
      %select_n3A_756 = arith.select %ge3A_751, %broadcast_in_dim3A_754, %broadcast_in_dim3A_755 : vector<16xi1>, vector<16xi32>
      %sub3A_757 = arith.subi %add3A_748, %select_n3A_756 : vector<16xi32>
      %get3A_758 = arith.constant 4 : i32
      %get3A_759 = arith.index_cast %get3A_758 : i32 to index
      %get3A_760 = arith.constant 32 : index
      %get3A_761 = tpu.vector_load %arg6[%get3A_759, %get3A_760] {strides = array<i32>} : memref<5x80xi32, #tpu.memory_space<vmem>>, vector<1x16xi32>,
      %get3A_762 = vector.shape_cast %get3A_761 : vector<1x16xi32> to vector<16xi32>
      %eq3A_763 = arith.constant 0 : i32
      %eq3A_764 = vector.broadcast %eq3A_763 : i32 to vector<16xi32>
      %eq3A_765 = arith.cmpi eq, %get3A_762, %eq3A_764 : vector<16xi32>
      %jit3A_766 = arith.constant 200 : i32
      %jit3A_767 = arith.constant 0 : i32
      %broadcast_in_dim3A_768 = vector.broadcast %jit3A_766 : i32 to vector<16xi32>
      %broadcast_in_dim3A_769 = vector.broadcast %jit3A_767 : i32 to vector<16xi32>
      %select_n3A_770 = arith.select %eq3A_765, %broadcast_in_dim3A_768, %broadcast_in_dim3A_769 : vector<16xi1>, vector<16xi32>
      %add3A_771 = arith.addi %sub3A_757, %select_n3A_770 : vector<16xi32>
      %swap3A_772 = arith.constant 4 : i32
      %swap3A_773 = arith.index_cast %swap3A_772 : i32 to index
      %swap3A_774 = arith.constant 32 : index
      %swap3A_775 = tpu.vector_load %arg8[%swap3A_773, %swap3A_774] {strides = array<i32>} : memref<5x80xi32, #tpu.memory_space<vmem>>, vector<1x16xi32>,
      %swap3A_776 = vector.shape_cast %swap3A_775 : vector<1x16xi32> to vector<16xi32>
      %swap3A_777 = vector.shape_cast %add3A_771 : vector<16xi32> to vector<1x16xi32>
      tpu.vector_store %arg8[%swap3A_773, %swap3A_774], %swap3A_777 {strides = array<i32>} : memref<5x80xi32, #tpu.memory_space<vmem>>, vector<1x16xi32>,
      %add3A_778 = arith.constant 368 : i32
      %add3A_779 = vector.broadcast %add3A_778 : i32 to vector<16xi32>
      %add3A_780 = arith.addi %add3A_779, %iota3A : vector<16xi32>
      %ge3A_781 = arith.constant 200 : i32
      %ge3A_782 = vector.broadcast %ge3A_781 : i32 to vector<16xi32>
      %ge3A_783 = arith.cmpi sge, %add3A_780, %ge3A_782 : vector<16xi32>
      %jit3A_784 = arith.constant 200 : i32
      %jit3A_785 = arith.constant 0 : i32
      %broadcast_in_dim3A_786 = vector.broadcast %jit3A_784 : i32 to vector<16xi32>
      %broadcast_in_dim3A_787 = vector.broadcast %jit3A_785 : i32 to vector<16xi32>
      %select_n3A_788 = arith.select %ge3A_783, %broadcast_in_dim3A_786, %broadcast_in_dim3A_787 : vector<16xi1>, vector<16xi32>
      %sub3A_789 = arith.subi %add3A_780, %select_n3A_788 : vector<16xi32>
      %get3A_790 = arith.constant 4 : i32
      %get3A_791 = arith.index_cast %get3A_790 : i32 to index
      %get3A_792 = arith.constant 48 : index
      %get3A_793 = tpu.vector_load %arg6[%get3A_791, %get3A_792] {strides = array<i32>} : memref<5x80xi32, #tpu.memory_space<vmem>>, vector<1x16xi32>,
      %get3A_794 = vector.shape_cast %get3A_793 : vector<1x16xi32> to vector<16xi32>
      %eq3A_795 = arith.constant 0 : i32
      %eq3A_796 = vector.broadcast %eq3A_795 : i32 to vector<16xi32>
      %eq3A_797 = arith.cmpi eq, %get3A_794, %eq3A_796 : vector<16xi32>
      %jit3A_798 = arith.constant 200 : i32
      %jit3A_799 = arith.constant 0 : i32
      %broadcast_in_dim3A_800 = vector.broadcast %jit3A_798 : i32 to vector<16xi32>
      %broadcast_in_dim3A_801 = vector.broadcast %jit3A_799 : i32 to vector<16xi32>
      %select_n3A_802 = arith.select %eq3A_797, %broadcast_in_dim3A_800, %broadcast_in_dim3A_801 : vector<16xi1>, vector<16xi32>
      %add3A_803 = arith.addi %sub3A_789, %select_n3A_802 : vector<16xi32>
      %swap3A_804 = arith.constant 4 : i32
      %swap3A_805 = arith.index_cast %swap3A_804 : i32 to index
      %swap3A_806 = arith.constant 48 : index
      %swap3A_807 = tpu.vector_load %arg8[%swap3A_805, %swap3A_806] {strides = array<i32>} : memref<5x80xi32, #tpu.memory_space<vmem>>, vector<1x16xi32>,
      %swap3A_808 = vector.shape_cast %swap3A_807 : vector<1x16xi32> to vector<16xi32>
      %swap3A_809 = vector.shape_cast %add3A_803 : vector<16xi32> to vector<1x16xi32>
      tpu.vector_store %arg8[%swap3A_805, %swap3A_806], %swap3A_809 {strides = array<i32>} : memref<5x80xi32, #tpu.memory_space<vmem>>, vector<1x16xi32>,
      %add3A_810 = arith.constant 384 : i32
      %add3A_811 = vector.broadcast %add3A_810 : i32 to vector<16xi32>
      %add3A_812 = arith.addi %add3A_811, %iota3A : vector<16xi32>
      %ge3A_813 = arith.constant 200 : i32
      %ge3A_814 = vector.broadcast %ge3A_813 : i32 to vector<16xi32>
      %ge3A_815 = arith.cmpi sge, %add3A_812, %ge3A_814 : vector<16xi32>
      %jit3A_816 = arith.constant 200 : i32
      %jit3A_817 = arith.constant 0 : i32
      %broadcast_in_dim3A_818 = vector.broadcast %jit3A_816 : i32 to vector<16xi32>
      %broadcast_in_dim3A_819 = vector.broadcast %jit3A_817 : i32 to vector<16xi32>
      %select_n3A_820 = arith.select %ge3A_815, %broadcast_in_dim3A_818, %broadcast_in_dim3A_819 : vector<16xi1>, vector<16xi32>
      %sub3A_821 = arith.subi %add3A_812, %select_n3A_820 : vector<16xi32>
      %get3A_822 = arith.constant 4 : i32
      %get3A_823 = arith.index_cast %get3A_822 : i32 to index
      %get3A_824 = arith.constant 64 : index
      %get3A_825 = tpu.vector_load %arg6[%get3A_823, %get3A_824] {strides = array<i32>} : memref<5x80xi32, #tpu.memory_space<vmem>>, vector<1x16xi32>,
      %get3A_826 = vector.shape_cast %get3A_825 : vector<1x16xi32> to vector<16xi32>
      %eq3A_827 = arith.constant 0 : i32
      %eq3A_828 = vector.broadcast %eq3A_827 : i32 to vector<16xi32>
      %eq3A_829 = arith.cmpi eq, %get3A_826, %eq3A_828 : vector<16xi32>
      %jit3A_830 = arith.constant 200 : i32
      %jit3A_831 = arith.constant 0 : i32
      %broadcast_in_dim3A_832 = vector.broadcast %jit3A_830 : i32 to vector<16xi32>
      %broadcast_in_dim3A_833 = vector.broadcast %jit3A_831 : i32 to vector<16xi32>
      %select_n3A_834 = arith.select %eq3A_829, %broadcast_in_dim3A_832, %broadcast_in_dim3A_833 : vector<16xi1>, vector<16xi32>
      %add3A_835 = arith.addi %sub3A_821, %select_n3A_834 : vector<16xi32>
      %swap3A_836 = arith.constant 4 : i32
      %swap3A_837 = arith.index_cast %swap3A_836 : i32 to index
      %swap3A_838 = arith.constant 64 : index
      %swap3A_839 = tpu.vector_load %arg8[%swap3A_837, %swap3A_838] {strides = array<i32>} : memref<5x80xi32, #tpu.memory_space<vmem>>, vector<1x16xi32>,
      %swap3A_840 = vector.shape_cast %swap3A_839 : vector<1x16xi32> to vector<16xi32>
      %swap3A_841 = vector.shape_cast %add3A_835 : vector<16xi32> to vector<1x16xi32>
      tpu.vector_store %arg8[%swap3A_837, %swap3A_838], %swap3A_841 {strides = array<i32>} : memref<5x80xi32, #tpu.memory_space<vmem>>, vector<1x16xi32>,
      %dma_start3A_842 = arith.constant 0 : i32
      %dma_start3A_843 = arith.constant 0 : i32
      %dma_start3A_844 = arith.constant 0 : i32
      %dma_start3A_845 = tpu.memref_slice %arg10[%dma_start3A_843, %dma_start3A_844] : memref<400x64xf32, #tpu.memory_space<vmem>> -> memref<80x64xf32, #tpu.memory_space<vmem>>
      %dma_start3A_846 = arith.constant 0 : i32
      %dma_start3A_847 = tpu.memref_slice %arg6[%dma_start3A_842, %dma_start3A_846] : memref<5x80xi32, #tpu.memory_space<vmem>> -> memref<1x80xi32, #tpu.memory_space<vmem>>
      %dma_start3A_848 = tpu.memref_squeeze %dma_start3A_847 : memref<1x80xi32, #tpu.memory_space<vmem>> -> memref<80xi32, #tpu.memory_space<vmem>>
      %dma_start3A_849 = arith.constant 0 : i32
      %dma_start3A_850 = arith.constant 0 : i32
      %dma_start3A_851 = tpu.memref_slice %arg2[%dma_start3A_849, %dma_start3A_850] : memref<1000000x64xf32, #tpu.memory_space<hbm>> -> memref<1000000x64xf32, #tpu.memory_space<hbm>>
      tpu.enqueue_indirect_dma source(%dma_start3A_851 : memref<1000000x64xf32, #tpu.memory_space<hbm>>) target(%dma_start3A_845 : memref<80x64xf32, #tpu.memory_space<vmem>>) offsets(%dma_start3A_848 : memref<80xi32, #tpu.memory_space<vmem>>) semaphore(%arg17 : memref<!tpu.dma_semaphore, #tpu.memory_space<semaphore_mem>>)
      %dma_start3A_852 = arith.constant 1 : i32
      %dma_start3A_853 = arith.constant 80 : i32
      %dma_start3A_854 = arith.constant 0 : i32
      %dma_start3A_855 = tpu.memref_slice %arg10[%dma_start3A_853, %dma_start3A_854] : memref<400x64xf32, #tpu.memory_space<vmem>> -> memref<80x64xf32, #tpu.memory_space<vmem>>
      %dma_start3A_856 = arith.constant 0 : i32
      %dma_start3A_857 = tpu.memref_slice %arg6[%dma_start3A_852, %dma_start3A_856] : memref<5x80xi32, #tpu.memory_space<vmem>> -> memref<1x80xi32, #tpu.memory_space<vmem>>
      %dma_start3A_858 = tpu.memref_squeeze %dma_start3A_857 : memref<1x80xi32, #tpu.memory_space<vmem>> -> memref<80xi32, #tpu.memory_space<vmem>>
      %dma_start3A_859 = arith.constant 0 : i32
      %dma_start3A_860 = arith.constant 0 : i32
      %dma_start3A_861 = tpu.memref_slice %arg2[%dma_start3A_859, %dma_start3A_860] : memref<1000000x64xf32, #tpu.memory_space<hbm>> -> memref<1000000x64xf32, #tpu.memory_space<hbm>>
      tpu.enqueue_indirect_dma source(%dma_start3A_861 : memref<1000000x64xf32, #tpu.memory_space<hbm>>) target(%dma_start3A_855 : memref<80x64xf32, #tpu.memory_space<vmem>>) offsets(%dma_start3A_858 : memref<80xi32, #tpu.memory_space<vmem>>) semaphore(%arg17 : memref<!tpu.dma_semaphore, #tpu.memory_space<semaphore_mem>>)
      %dma_start3A_862 = arith.constant 2 : i32
      %dma_start3A_863 = arith.constant 160 : i32
      %dma_start3A_864 = arith.constant 0 : i32
      %dma_start3A_865 = tpu.memref_slice %arg10[%dma_start3A_863, %dma_start3A_864] : memref<400x64xf32, #tpu.memory_space<vmem>> -> memref<80x64xf32, #tpu.memory_space<vmem>>
      %dma_start3A_866 = arith.constant 0 : i32
      %dma_start3A_867 = tpu.memref_slice %arg6[%dma_start3A_862, %dma_start3A_866] : memref<5x80xi32, #tpu.memory_space<vmem>> -> memref<1x80xi32, #tpu.memory_space<vmem>>
      %dma_start3A_868 = tpu.memref_squeeze %dma_start3A_867 : memref<1x80xi32, #tpu.memory_space<vmem>> -> memref<80xi32, #tpu.memory_space<vmem>>
      %dma_start3A_869 = arith.constant 0 : i32
      %dma_start3A_870 = arith.constant 0 : i32
      %dma_start3A_871 = tpu.memref_slice %arg2[%dma_start3A_869, %dma_start3A_870] : memref<1000000x64xf32, #tpu.memory_space<hbm>> -> memref<1000000x64xf32, #tpu.memory_space<hbm>>
      tpu.enqueue_indirect_dma source(%dma_start3A_871 : memref<1000000x64xf32, #tpu.memory_space<hbm>>) target(%dma_start3A_865 : memref<80x64xf32, #tpu.memory_space<vmem>>) offsets(%dma_start3A_868 : memref<80xi32, #tpu.memory_space<vmem>>) semaphore(%arg17 : memref<!tpu.dma_semaphore, #tpu.memory_space<semaphore_mem>>)
      %dma_start3A_872 = arith.constant 3 : i32
      %dma_start3A_873 = arith.constant 240 : i32
      %dma_start3A_874 = arith.constant 0 : i32
      %dma_start3A_875 = tpu.memref_slice %arg10[%dma_start3A_873, %dma_start3A_874] : memref<400x64xf32, #tpu.memory_space<vmem>> -> memref<80x64xf32, #tpu.memory_space<vmem>>
      %dma_start3A_876 = arith.constant 0 : i32
      %dma_start3A_877 = tpu.memref_slice %arg6[%dma_start3A_872, %dma_start3A_876] : memref<5x80xi32, #tpu.memory_space<vmem>> -> memref<1x80xi32, #tpu.memory_space<vmem>>
      %dma_start3A_878 = tpu.memref_squeeze %dma_start3A_877 : memref<1x80xi32, #tpu.memory_space<vmem>> -> memref<80xi32, #tpu.memory_space<vmem>>
      %dma_start3A_879 = arith.constant 0 : i32
      %dma_start3A_880 = arith.constant 0 : i32
      %dma_start3A_881 = tpu.memref_slice %arg2[%dma_start3A_879, %dma_start3A_880] : memref<1000000x64xf32, #tpu.memory_space<hbm>> -> memref<1000000x64xf32, #tpu.memory_space<hbm>>
      tpu.enqueue_indirect_dma source(%dma_start3A_881 : memref<1000000x64xf32, #tpu.memory_space<hbm>>) target(%dma_start3A_875 : memref<80x64xf32, #tpu.memory_space<vmem>>) offsets(%dma_start3A_878 : memref<80xi32, #tpu.memory_space<vmem>>) semaphore(%arg17 : memref<!tpu.dma_semaphore, #tpu.memory_space<semaphore_mem>>)
      %dma_start3A_882 = arith.constant 4 : i32
      %dma_start3A_883 = arith.constant 320 : i32
      %dma_start3A_884 = arith.constant 0 : i32
      %dma_start3A_885 = tpu.memref_slice %arg10[%dma_start3A_883, %dma_start3A_884] : memref<400x64xf32, #tpu.memory_space<vmem>> -> memref<80x64xf32, #tpu.memory_space<vmem>>
      %dma_start3A_886 = arith.constant 0 : i32
      %dma_start3A_887 = tpu.memref_slice %arg6[%dma_start3A_882, %dma_start3A_886] : memref<5x80xi32, #tpu.memory_space<vmem>> -> memref<1x80xi32, #tpu.memory_space<vmem>>
      %dma_start3A_888 = tpu.memref_squeeze %dma_start3A_887 : memref<1x80xi32, #tpu.memory_space<vmem>> -> memref<80xi32, #tpu.memory_space<vmem>>
      %dma_start3A_889 = arith.constant 0 : i32
      %dma_start3A_890 = arith.constant 0 : i32
      %dma_start3A_891 = tpu.memref_slice %arg2[%dma_start3A_889, %dma_start3A_890] : memref<1000000x64xf32, #tpu.memory_space<hbm>> -> memref<1000000x64xf32, #tpu.memory_space<hbm>>
      tpu.enqueue_indirect_dma source(%dma_start3A_891 : memref<1000000x64xf32, #tpu.memory_space<hbm>>) target(%dma_start3A_885 : memref<80x64xf32, #tpu.memory_space<vmem>>) offsets(%dma_start3A_888 : memref<80xi32, #tpu.memory_space<vmem>>) semaphore(%arg17 : memref<!tpu.dma_semaphore, #tpu.memory_space<semaphore_mem>>)
      %ge3A_892 = arith.constant 2 : i32
      %ge3A_893 = arith.cmpi sge, %add3A_37, %ge3A_892 : i32
      %convert_element_type3A_894 = arith.extui %ge3A_893 : i1 to i32
      %cond3A_895 = arith.constant 0 : i32
      %cond3A_896 = arith.cmpi ne, %convert_element_type3A_894, %cond3A_895 : i32
      scf.if %cond3A_896 {
        %dma_wait3A_1888 = arith.constant 0 : i32
        %dma_wait3A_1889 = arith.constant 0 : i32
        %dma_wait3A_1890 = tpu.memref_slice %arg5[%dma_wait3A_1888, %dma_wait3A_1889] : memref<819200x64xf32, #tpu.memory_space<hbm>> -> memref<400x64xf32, #tpu.memory_space<hbm>>
        %dma_wait3A_1891 = arith.constant 0 : i32
        %dma_wait3A_1892 = arith.constant 0 : i32
        %dma_wait3A_1893 = tpu.memref_slice %arg5[%dma_wait3A_1891, %dma_wait3A_1892] : memref<819200x64xf32, #tpu.memory_space<hbm>> -> memref<400x64xf32, #tpu.memory_space<hbm>>
        tpu.wait_dma2 semaphore(%arg22 : memref<!tpu.dma_semaphore, #tpu.memory_space<semaphore_mem>>) src(%arg11 : memref<400x64xf32, #tpu.memory_space<vmem>>) dst(%dma_wait3A_1893 : memref<400x64xf32, #tpu.memory_space<hbm>>)
      } else {
      }
      %dma_wait3A_897 = arith.constant 0 : i32
      %dma_wait3A_898 = arith.constant 0 : i32
      %dma_wait3A_899 = tpu.memref_slice %arg3[%dma_wait3A_897, %dma_wait3A_898] : memref<10240x80xi32, #tpu.memory_space<hbm>> -> memref<5x80xi32, #tpu.memory_space<hbm>>
      %dma_wait3A_900 = arith.constant 0 : i32
      %dma_wait3A_901 = arith.constant 0 : i32
      %dma_wait3A_902 = tpu.memref_slice %arg3[%dma_wait3A_900, %dma_wait3A_901] : memref<10240x80xi32, #tpu.memory_space<hbm>> -> memref<5x80xi32, #tpu.memory_space<hbm>>
      tpu.wait_dma2 semaphore(%arg16 : memref<!tpu.dma_semaphore, #tpu.memory_space<semaphore_mem>>) src(%dma_wait3A_902 : memref<5x80xi32, #tpu.memory_space<hbm>>) dst(%arg7 : memref<5x80xi32, #tpu.memory_space<vmem>>)
      %add3A_903 = arith.constant 0 : i32
      %add3A_904 = vector.broadcast %add3A_903 : i32 to vector<16xi32>
      %add3A_905 = arith.addi %add3A_904, %iota3A : vector<16xi32>
      %ge3A_906 = arith.constant 200 : i32
      %ge3A_907 = vector.broadcast %ge3A_906 : i32 to vector<16xi32>
      %ge3A_908 = arith.cmpi sge, %add3A_905, %ge3A_907 : vector<16xi32>
      %jit3A_909 = arith.constant 200 : i32
      %jit3A_910 = arith.constant 0 : i32
      %broadcast_in_dim3A_911 = vector.broadcast %jit3A_909 : i32 to vector<16xi32>
      %broadcast_in_dim3A_912 = vector.broadcast %jit3A_910 : i32 to vector<16xi32>
      %select_n3A_913 = arith.select %ge3A_908, %broadcast_in_dim3A_911, %broadcast_in_dim3A_912 : vector<16xi1>, vector<16xi32>
      %sub3A_914 = arith.subi %add3A_905, %select_n3A_913 : vector<16xi32>
      %get3A_915 = arith.constant 0 : i32
      %get3A_916 = arith.index_cast %get3A_915 : i32 to index
      %get3A_917 = arith.constant 0 : index
      %get3A_918 = tpu.vector_load %arg7[%get3A_916, %get3A_917] {strides = array<i32>} : memref<5x80xi32, #tpu.memory_space<vmem>>, vector<1x16xi32>,
      %get3A_919 = vector.shape_cast %get3A_918 : vector<1x16xi32> to vector<16xi32>
      %eq3A_920 = arith.constant 0 : i32
      %eq3A_921 = vector.broadcast %eq3A_920 : i32 to vector<16xi32>
      %eq3A_922 = arith.cmpi eq, %get3A_919, %eq3A_921 : vector<16xi32>
      %jit3A_923 = arith.constant 200 : i32
      %jit3A_924 = arith.constant 0 : i32
      %broadcast_in_dim3A_925 = vector.broadcast %jit3A_923 : i32 to vector<16xi32>
      %broadcast_in_dim3A_926 = vector.broadcast %jit3A_924 : i32 to vector<16xi32>
      %select_n3A_927 = arith.select %eq3A_922, %broadcast_in_dim3A_925, %broadcast_in_dim3A_926 : vector<16xi1>, vector<16xi32>
      %add3A_928 = arith.addi %sub3A_914, %select_n3A_927 : vector<16xi32>
      %swap3A_929 = arith.constant 0 : i32
      %swap3A_930 = arith.index_cast %swap3A_929 : i32 to index
      %swap3A_931 = arith.constant 0 : index
      %swap3A_932 = tpu.vector_load %arg9[%swap3A_930, %swap3A_931] {strides = array<i32>} : memref<5x80xi32, #tpu.memory_space<vmem>>, vector<1x16xi32>,
      %swap3A_933 = vector.shape_cast %swap3A_932 : vector<1x16xi32> to vector<16xi32>
      %swap3A_934 = vector.shape_cast %add3A_928 : vector<16xi32> to vector<1x16xi32>
      tpu.vector_store %arg9[%swap3A_930, %swap3A_931], %swap3A_934 {strides = array<i32>} : memref<5x80xi32, #tpu.memory_space<vmem>>, vector<1x16xi32>,
      %add3A_935 = arith.constant 16 : i32
      %add3A_936 = vector.broadcast %add3A_935 : i32 to vector<16xi32>
      %add3A_937 = arith.addi %add3A_936, %iota3A : vector<16xi32>
      %ge3A_938 = arith.constant 200 : i32
      %ge3A_939 = vector.broadcast %ge3A_938 : i32 to vector<16xi32>
      %ge3A_940 = arith.cmpi sge, %add3A_937, %ge3A_939 : vector<16xi32>
      %jit3A_941 = arith.constant 200 : i32
      %jit3A_942 = arith.constant 0 : i32
      %broadcast_in_dim3A_943 = vector.broadcast %jit3A_941 : i32 to vector<16xi32>
      %broadcast_in_dim3A_944 = vector.broadcast %jit3A_942 : i32 to vector<16xi32>
      %select_n3A_945 = arith.select %ge3A_940, %broadcast_in_dim3A_943, %broadcast_in_dim3A_944 : vector<16xi1>, vector<16xi32>
      %sub3A_946 = arith.subi %add3A_937, %select_n3A_945 : vector<16xi32>
      %get3A_947 = arith.constant 0 : i32
      %get3A_948 = arith.index_cast %get3A_947 : i32 to index
      %get3A_949 = arith.constant 16 : index
      %get3A_950 = tpu.vector_load %arg7[%get3A_948, %get3A_949] {strides = array<i32>} : memref<5x80xi32, #tpu.memory_space<vmem>>, vector<1x16xi32>,
      %get3A_951 = vector.shape_cast %get3A_950 : vector<1x16xi32> to vector<16xi32>
      %eq3A_952 = arith.constant 0 : i32
      %eq3A_953 = vector.broadcast %eq3A_952 : i32 to vector<16xi32>
      %eq3A_954 = arith.cmpi eq, %get3A_951, %eq3A_953 : vector<16xi32>
      %jit3A_955 = arith.constant 200 : i32
      %jit3A_956 = arith.constant 0 : i32
      %broadcast_in_dim3A_957 = vector.broadcast %jit3A_955 : i32 to vector<16xi32>
      %broadcast_in_dim3A_958 = vector.broadcast %jit3A_956 : i32 to vector<16xi32>
      %select_n3A_959 = arith.select %eq3A_954, %broadcast_in_dim3A_957, %broadcast_in_dim3A_958 : vector<16xi1>, vector<16xi32>
      %add3A_960 = arith.addi %sub3A_946, %select_n3A_959 : vector<16xi32>
      %swap3A_961 = arith.constant 0 : i32
      %swap3A_962 = arith.index_cast %swap3A_961 : i32 to index
      %swap3A_963 = arith.constant 16 : index
      %swap3A_964 = tpu.vector_load %arg9[%swap3A_962, %swap3A_963] {strides = array<i32>} : memref<5x80xi32, #tpu.memory_space<vmem>>, vector<1x16xi32>,
      %swap3A_965 = vector.shape_cast %swap3A_964 : vector<1x16xi32> to vector<16xi32>
      %swap3A_966 = vector.shape_cast %add3A_960 : vector<16xi32> to vector<1x16xi32>
      tpu.vector_store %arg9[%swap3A_962, %swap3A_963], %swap3A_966 {strides = array<i32>} : memref<5x80xi32, #tpu.memory_space<vmem>>, vector<1x16xi32>,
      %add3A_967 = arith.constant 32 : i32
      %add3A_968 = vector.broadcast %add3A_967 : i32 to vector<16xi32>
      %add3A_969 = arith.addi %add3A_968, %iota3A : vector<16xi32>
      %ge3A_970 = arith.constant 200 : i32
      %ge3A_971 = vector.broadcast %ge3A_970 : i32 to vector<16xi32>
      %ge3A_972 = arith.cmpi sge, %add3A_969, %ge3A_971 : vector<16xi32>
      %jit3A_973 = arith.constant 200 : i32
      %jit3A_974 = arith.constant 0 : i32
      %broadcast_in_dim3A_975 = vector.broadcast %jit3A_973 : i32 to vector<16xi32>
      %broadcast_in_dim3A_976 = vector.broadcast %jit3A_974 : i32 to vector<16xi32>
      %select_n3A_977 = arith.select %ge3A_972, %broadcast_in_dim3A_975, %broadcast_in_dim3A_976 : vector<16xi1>, vector<16xi32>
      %sub3A_978 = arith.subi %add3A_969, %select_n3A_977 : vector<16xi32>
      %get3A_979 = arith.constant 0 : i32
      %get3A_980 = arith.index_cast %get3A_979 : i32 to index
      %get3A_981 = arith.constant 32 : index
      %get3A_982 = tpu.vector_load %arg7[%get3A_980, %get3A_981] {strides = array<i32>} : memref<5x80xi32, #tpu.memory_space<vmem>>, vector<1x16xi32>,
      %get3A_983 = vector.shape_cast %get3A_982 : vector<1x16xi32> to vector<16xi32>
      %eq3A_984 = arith.constant 0 : i32
      %eq3A_985 = vector.broadcast %eq3A_984 : i32 to vector<16xi32>
      %eq3A_986 = arith.cmpi eq, %get3A_983, %eq3A_985 : vector<16xi32>
      %jit3A_987 = arith.constant 200 : i32
      %jit3A_988 = arith.constant 0 : i32
      %broadcast_in_dim3A_989 = vector.broadcast %jit3A_987 : i32 to vector<16xi32>
      %broadcast_in_dim3A_990 = vector.broadcast %jit3A_988 : i32 to vector<16xi32>
      %select_n3A_991 = arith.select %eq3A_986, %broadcast_in_dim3A_989, %broadcast_in_dim3A_990 : vector<16xi1>, vector<16xi32>
      %add3A_992 = arith.addi %sub3A_978, %select_n3A_991 : vector<16xi32>
      %swap3A_993 = arith.constant 0 : i32
      %swap3A_994 = arith.index_cast %swap3A_993 : i32 to index
      %swap3A_995 = arith.constant 32 : index
      %swap3A_996 = tpu.vector_load %arg9[%swap3A_994, %swap3A_995] {strides = array<i32>} : memref<5x80xi32, #tpu.memory_space<vmem>>, vector<1x16xi32>,
      %swap3A_997 = vector.shape_cast %swap3A_996 : vector<1x16xi32> to vector<16xi32>
      %swap3A_998 = vector.shape_cast %add3A_992 : vector<16xi32> to vector<1x16xi32>
      tpu.vector_store %arg9[%swap3A_994, %swap3A_995], %swap3A_998 {strides = array<i32>} : memref<5x80xi32, #tpu.memory_space<vmem>>, vector<1x16xi32>,
      %add3A_999 = arith.constant 48 : i32
      %add3A_1000 = vector.broadcast %add3A_999 : i32 to vector<16xi32>
      %add3A_1001 = arith.addi %add3A_1000, %iota3A : vector<16xi32>
      %ge3A_1002 = arith.constant 200 : i32
      %ge3A_1003 = vector.broadcast %ge3A_1002 : i32 to vector<16xi32>
      %ge3A_1004 = arith.cmpi sge, %add3A_1001, %ge3A_1003 : vector<16xi32>
      %jit3A_1005 = arith.constant 200 : i32
      %jit3A_1006 = arith.constant 0 : i32
      %broadcast_in_dim3A_1007 = vector.broadcast %jit3A_1005 : i32 to vector<16xi32>
      %broadcast_in_dim3A_1008 = vector.broadcast %jit3A_1006 : i32 to vector<16xi32>
      %select_n3A_1009 = arith.select %ge3A_1004, %broadcast_in_dim3A_1007, %broadcast_in_dim3A_1008 : vector<16xi1>, vector<16xi32>
      %sub3A_1010 = arith.subi %add3A_1001, %select_n3A_1009 : vector<16xi32>
      %get3A_1011 = arith.constant 0 : i32
      %get3A_1012 = arith.index_cast %get3A_1011 : i32 to index
      %get3A_1013 = arith.constant 48 : index
      %get3A_1014 = tpu.vector_load %arg7[%get3A_1012, %get3A_1013] {strides = array<i32>} : memref<5x80xi32, #tpu.memory_space<vmem>>, vector<1x16xi32>,
      %get3A_1015 = vector.shape_cast %get3A_1014 : vector<1x16xi32> to vector<16xi32>
      %eq3A_1016 = arith.constant 0 : i32
      %eq3A_1017 = vector.broadcast %eq3A_1016 : i32 to vector<16xi32>
      %eq3A_1018 = arith.cmpi eq, %get3A_1015, %eq3A_1017 : vector<16xi32>
      %jit3A_1019 = arith.constant 200 : i32
      %jit3A_1020 = arith.constant 0 : i32
      %broadcast_in_dim3A_1021 = vector.broadcast %jit3A_1019 : i32 to vector<16xi32>
      %broadcast_in_dim3A_1022 = vector.broadcast %jit3A_1020 : i32 to vector<16xi32>
      %select_n3A_1023 = arith.select %eq3A_1018, %broadcast_in_dim3A_1021, %broadcast_in_dim3A_1022 : vector<16xi1>, vector<16xi32>
      %add3A_1024 = arith.addi %sub3A_1010, %select_n3A_1023 : vector<16xi32>
      %swap3A_1025 = arith.constant 0 : i32
      %swap3A_1026 = arith.index_cast %swap3A_1025 : i32 to index
      %swap3A_1027 = arith.constant 48 : index
      %swap3A_1028 = tpu.vector_load %arg9[%swap3A_1026, %swap3A_1027] {strides = array<i32>} : memref<5x80xi32, #tpu.memory_space<vmem>>, vector<1x16xi32>,
      %swap3A_1029 = vector.shape_cast %swap3A_1028 : vector<1x16xi32> to vector<16xi32>
      %swap3A_1030 = vector.shape_cast %add3A_1024 : vector<16xi32> to vector<1x16xi32>
      tpu.vector_store %arg9[%swap3A_1026, %swap3A_1027], %swap3A_1030 {strides = array<i32>} : memref<5x80xi32, #tpu.memory_space<vmem>>, vector<1x16xi32>,
      %add3A_1031 = arith.constant 64 : i32
      %add3A_1032 = vector.broadcast %add3A_1031 : i32 to vector<16xi32>
      %add3A_1033 = arith.addi %add3A_1032, %iota3A : vector<16xi32>
      %ge3A_1034 = arith.constant 200 : i32
      %ge3A_1035 = vector.broadcast %ge3A_1034 : i32 to vector<16xi32>
      %ge3A_1036 = arith.cmpi sge, %add3A_1033, %ge3A_1035 : vector<16xi32>
      %jit3A_1037 = arith.constant 200 : i32
      %jit3A_1038 = arith.constant 0 : i32
      %broadcast_in_dim3A_1039 = vector.broadcast %jit3A_1037 : i32 to vector<16xi32>
      %broadcast_in_dim3A_1040 = vector.broadcast %jit3A_1038 : i32 to vector<16xi32>
      %select_n3A_1041 = arith.select %ge3A_1036, %broadcast_in_dim3A_1039, %broadcast_in_dim3A_1040 : vector<16xi1>, vector<16xi32>
      %sub3A_1042 = arith.subi %add3A_1033, %select_n3A_1041 : vector<16xi32>
      %get3A_1043 = arith.constant 0 : i32
      %get3A_1044 = arith.index_cast %get3A_1043 : i32 to index
      %get3A_1045 = arith.constant 64 : index
      %get3A_1046 = tpu.vector_load %arg7[%get3A_1044, %get3A_1045] {strides = array<i32>} : memref<5x80xi32, #tpu.memory_space<vmem>>, vector<1x16xi32>,
      %get3A_1047 = vector.shape_cast %get3A_1046 : vector<1x16xi32> to vector<16xi32>
      %eq3A_1048 = arith.constant 0 : i32
      %eq3A_1049 = vector.broadcast %eq3A_1048 : i32 to vector<16xi32>
      %eq3A_1050 = arith.cmpi eq, %get3A_1047, %eq3A_1049 : vector<16xi32>
      %jit3A_1051 = arith.constant 200 : i32
      %jit3A_1052 = arith.constant 0 : i32
      %broadcast_in_dim3A_1053 = vector.broadcast %jit3A_1051 : i32 to vector<16xi32>
      %broadcast_in_dim3A_1054 = vector.broadcast %jit3A_1052 : i32 to vector<16xi32>
      %select_n3A_1055 = arith.select %eq3A_1050, %broadcast_in_dim3A_1053, %broadcast_in_dim3A_1054 : vector<16xi1>, vector<16xi32>
      %add3A_1056 = arith.addi %sub3A_1042, %select_n3A_1055 : vector<16xi32>
      %swap3A_1057 = arith.constant 0 : i32
      %swap3A_1058 = arith.index_cast %swap3A_1057 : i32 to index
      %swap3A_1059 = arith.constant 64 : index
      %swap3A_1060 = tpu.vector_load %arg9[%swap3A_1058, %swap3A_1059] {strides = array<i32>} : memref<5x80xi32, #tpu.memory_space<vmem>>, vector<1x16xi32>,
      %swap3A_1061 = vector.shape_cast %swap3A_1060 : vector<1x16xi32> to vector<16xi32>
      %swap3A_1062 = vector.shape_cast %add3A_1056 : vector<16xi32> to vector<1x16xi32>
      tpu.vector_store %arg9[%swap3A_1058, %swap3A_1059], %swap3A_1062 {strides = array<i32>} : memref<5x80xi32, #tpu.memory_space<vmem>>, vector<1x16xi32>,
      %add3A_1063 = arith.constant 80 : i32
      %add3A_1064 = vector.broadcast %add3A_1063 : i32 to vector<16xi32>
      %add3A_1065 = arith.addi %add3A_1064, %iota3A : vector<16xi32>
      %ge3A_1066 = arith.constant 200 : i32
      %ge3A_1067 = vector.broadcast %ge3A_1066 : i32 to vector<16xi32>
      %ge3A_1068 = arith.cmpi sge, %add3A_1065, %ge3A_1067 : vector<16xi32>
      %jit3A_1069 = arith.constant 200 : i32
      %jit3A_1070 = arith.constant 0 : i32
      %broadcast_in_dim3A_1071 = vector.broadcast %jit3A_1069 : i32 to vector<16xi32>
      %broadcast_in_dim3A_1072 = vector.broadcast %jit3A_1070 : i32 to vector<16xi32>
      %select_n3A_1073 = arith.select %ge3A_1068, %broadcast_in_dim3A_1071, %broadcast_in_dim3A_1072 : vector<16xi1>, vector<16xi32>
      %sub3A_1074 = arith.subi %add3A_1065, %select_n3A_1073 : vector<16xi32>
      %get3A_1075 = arith.constant 1 : i32
      %get3A_1076 = arith.index_cast %get3A_1075 : i32 to index
      %get3A_1077 = arith.constant 0 : index
      %get3A_1078 = tpu.vector_load %arg7[%get3A_1076, %get3A_1077] {strides = array<i32>} : memref<5x80xi32, #tpu.memory_space<vmem>>, vector<1x16xi32>,
      %get3A_1079 = vector.shape_cast %get3A_1078 : vector<1x16xi32> to vector<16xi32>
      %eq3A_1080 = arith.constant 0 : i32
      %eq3A_1081 = vector.broadcast %eq3A_1080 : i32 to vector<16xi32>
      %eq3A_1082 = arith.cmpi eq, %get3A_1079, %eq3A_1081 : vector<16xi32>
      %jit3A_1083 = arith.constant 200 : i32
      %jit3A_1084 = arith.constant 0 : i32
      %broadcast_in_dim3A_1085 = vector.broadcast %jit3A_1083 : i32 to vector<16xi32>
      %broadcast_in_dim3A_1086 = vector.broadcast %jit3A_1084 : i32 to vector<16xi32>
      %select_n3A_1087 = arith.select %eq3A_1082, %broadcast_in_dim3A_1085, %broadcast_in_dim3A_1086 : vector<16xi1>, vector<16xi32>
      %add3A_1088 = arith.addi %sub3A_1074, %select_n3A_1087 : vector<16xi32>
      %swap3A_1089 = arith.constant 1 : i32
      %swap3A_1090 = arith.index_cast %swap3A_1089 : i32 to index
      %swap3A_1091 = arith.constant 0 : index
      %swap3A_1092 = tpu.vector_load %arg9[%swap3A_1090, %swap3A_1091] {strides = array<i32>} : memref<5x80xi32, #tpu.memory_space<vmem>>, vector<1x16xi32>,
      %swap3A_1093 = vector.shape_cast %swap3A_1092 : vector<1x16xi32> to vector<16xi32>
      %swap3A_1094 = vector.shape_cast %add3A_1088 : vector<16xi32> to vector<1x16xi32>
      tpu.vector_store %arg9[%swap3A_1090, %swap3A_1091], %swap3A_1094 {strides = array<i32>} : memref<5x80xi32, #tpu.memory_space<vmem>>, vector<1x16xi32>,
      %add3A_1095 = arith.constant 96 : i32
      %add3A_1096 = vector.broadcast %add3A_1095 : i32 to vector<16xi32>
      %add3A_1097 = arith.addi %add3A_1096, %iota3A : vector<16xi32>
      %ge3A_1098 = arith.constant 200 : i32
      %ge3A_1099 = vector.broadcast %ge3A_1098 : i32 to vector<16xi32>
      %ge3A_1100 = arith.cmpi sge, %add3A_1097, %ge3A_1099 : vector<16xi32>
      %jit3A_1101 = arith.constant 200 : i32
      %jit3A_1102 = arith.constant 0 : i32
      %broadcast_in_dim3A_1103 = vector.broadcast %jit3A_1101 : i32 to vector<16xi32>
      %broadcast_in_dim3A_1104 = vector.broadcast %jit3A_1102 : i32 to vector<16xi32>
      %select_n3A_1105 = arith.select %ge3A_1100, %broadcast_in_dim3A_1103, %broadcast_in_dim3A_1104 : vector<16xi1>, vector<16xi32>
      %sub3A_1106 = arith.subi %add3A_1097, %select_n3A_1105 : vector<16xi32>
      %get3A_1107 = arith.constant 1 : i32
      %get3A_1108 = arith.index_cast %get3A_1107 : i32 to index
      %get3A_1109 = arith.constant 16 : index
      %get3A_1110 = tpu.vector_load %arg7[%get3A_1108, %get3A_1109] {strides = array<i32>} : memref<5x80xi32, #tpu.memory_space<vmem>>, vector<1x16xi32>,
      %get3A_1111 = vector.shape_cast %get3A_1110 : vector<1x16xi32> to vector<16xi32>
      %eq3A_1112 = arith.constant 0 : i32
      %eq3A_1113 = vector.broadcast %eq3A_1112 : i32 to vector<16xi32>
      %eq3A_1114 = arith.cmpi eq, %get3A_1111, %eq3A_1113 : vector<16xi32>
      %jit3A_1115 = arith.constant 200 : i32
      %jit3A_1116 = arith.constant 0 : i32
      %broadcast_in_dim3A_1117 = vector.broadcast %jit3A_1115 : i32 to vector<16xi32>
      %broadcast_in_dim3A_1118 = vector.broadcast %jit3A_1116 : i32 to vector<16xi32>
      %select_n3A_1119 = arith.select %eq3A_1114, %broadcast_in_dim3A_1117, %broadcast_in_dim3A_1118 : vector<16xi1>, vector<16xi32>
      %add3A_1120 = arith.addi %sub3A_1106, %select_n3A_1119 : vector<16xi32>
      %swap3A_1121 = arith.constant 1 : i32
      %swap3A_1122 = arith.index_cast %swap3A_1121 : i32 to index
      %swap3A_1123 = arith.constant 16 : index
      %swap3A_1124 = tpu.vector_load %arg9[%swap3A_1122, %swap3A_1123] {strides = array<i32>} : memref<5x80xi32, #tpu.memory_space<vmem>>, vector<1x16xi32>,
      %swap3A_1125 = vector.shape_cast %swap3A_1124 : vector<1x16xi32> to vector<16xi32>
      %swap3A_1126 = vector.shape_cast %add3A_1120 : vector<16xi32> to vector<1x16xi32>
      tpu.vector_store %arg9[%swap3A_1122, %swap3A_1123], %swap3A_1126 {strides = array<i32>} : memref<5x80xi32, #tpu.memory_space<vmem>>, vector<1x16xi32>,
      %add3A_1127 = arith.constant 112 : i32
      %add3A_1128 = vector.broadcast %add3A_1127 : i32 to vector<16xi32>
      %add3A_1129 = arith.addi %add3A_1128, %iota3A : vector<16xi32>
      %ge3A_1130 = arith.constant 200 : i32
      %ge3A_1131 = vector.broadcast %ge3A_1130 : i32 to vector<16xi32>
      %ge3A_1132 = arith.cmpi sge, %add3A_1129, %ge3A_1131 : vector<16xi32>
      %jit3A_1133 = arith.constant 200 : i32
      %jit3A_1134 = arith.constant 0 : i32
      %broadcast_in_dim3A_1135 = vector.broadcast %jit3A_1133 : i32 to vector<16xi32>
      %broadcast_in_dim3A_1136 = vector.broadcast %jit3A_1134 : i32 to vector<16xi32>
      %select_n3A_1137 = arith.select %ge3A_1132, %broadcast_in_dim3A_1135, %broadcast_in_dim3A_1136 : vector<16xi1>, vector<16xi32>
      %sub3A_1138 = arith.subi %add3A_1129, %select_n3A_1137 : vector<16xi32>
      %get3A_1139 = arith.constant 1 : i32
      %get3A_1140 = arith.index_cast %get3A_1139 : i32 to index
      %get3A_1141 = arith.constant 32 : index
      %get3A_1142 = tpu.vector_load %arg7[%get3A_1140, %get3A_1141] {strides = array<i32>} : memref<5x80xi32, #tpu.memory_space<vmem>>, vector<1x16xi32>,
      %get3A_1143 = vector.shape_cast %get3A_1142 : vector<1x16xi32> to vector<16xi32>
      %eq3A_1144 = arith.constant 0 : i32
      %eq3A_1145 = vector.broadcast %eq3A_1144 : i32 to vector<16xi32>
      %eq3A_1146 = arith.cmpi eq, %get3A_1143, %eq3A_1145 : vector<16xi32>
      %jit3A_1147 = arith.constant 200 : i32
      %jit3A_1148 = arith.constant 0 : i32
      %broadcast_in_dim3A_1149 = vector.broadcast %jit3A_1147 : i32 to vector<16xi32>
      %broadcast_in_dim3A_1150 = vector.broadcast %jit3A_1148 : i32 to vector<16xi32>
      %select_n3A_1151 = arith.select %eq3A_1146, %broadcast_in_dim3A_1149, %broadcast_in_dim3A_1150 : vector<16xi1>, vector<16xi32>
      %add3A_1152 = arith.addi %sub3A_1138, %select_n3A_1151 : vector<16xi32>
      %swap3A_1153 = arith.constant 1 : i32
      %swap3A_1154 = arith.index_cast %swap3A_1153 : i32 to index
      %swap3A_1155 = arith.constant 32 : index
      %swap3A_1156 = tpu.vector_load %arg9[%swap3A_1154, %swap3A_1155] {strides = array<i32>} : memref<5x80xi32, #tpu.memory_space<vmem>>, vector<1x16xi32>,
      %swap3A_1157 = vector.shape_cast %swap3A_1156 : vector<1x16xi32> to vector<16xi32>
      %swap3A_1158 = vector.shape_cast %add3A_1152 : vector<16xi32> to vector<1x16xi32>
      tpu.vector_store %arg9[%swap3A_1154, %swap3A_1155], %swap3A_1158 {strides = array<i32>} : memref<5x80xi32, #tpu.memory_space<vmem>>, vector<1x16xi32>,
      %add3A_1159 = arith.constant 128 : i32
      %add3A_1160 = vector.broadcast %add3A_1159 : i32 to vector<16xi32>
      %add3A_1161 = arith.addi %add3A_1160, %iota3A : vector<16xi32>
      %ge3A_1162 = arith.constant 200 : i32
      %ge3A_1163 = vector.broadcast %ge3A_1162 : i32 to vector<16xi32>
      %ge3A_1164 = arith.cmpi sge, %add3A_1161, %ge3A_1163 : vector<16xi32>
      %jit3A_1165 = arith.constant 200 : i32
      %jit3A_1166 = arith.constant 0 : i32
      %broadcast_in_dim3A_1167 = vector.broadcast %jit3A_1165 : i32 to vector<16xi32>
      %broadcast_in_dim3A_1168 = vector.broadcast %jit3A_1166 : i32 to vector<16xi32>
      %select_n3A_1169 = arith.select %ge3A_1164, %broadcast_in_dim3A_1167, %broadcast_in_dim3A_1168 : vector<16xi1>, vector<16xi32>
      %sub3A_1170 = arith.subi %add3A_1161, %select_n3A_1169 : vector<16xi32>
      %get3A_1171 = arith.constant 1 : i32
      %get3A_1172 = arith.index_cast %get3A_1171 : i32 to index
      %get3A_1173 = arith.constant 48 : index
      %get3A_1174 = tpu.vector_load %arg7[%get3A_1172, %get3A_1173] {strides = array<i32>} : memref<5x80xi32, #tpu.memory_space<vmem>>, vector<1x16xi32>,
      %get3A_1175 = vector.shape_cast %get3A_1174 : vector<1x16xi32> to vector<16xi32>
      %eq3A_1176 = arith.constant 0 : i32
      %eq3A_1177 = vector.broadcast %eq3A_1176 : i32 to vector<16xi32>
      %eq3A_1178 = arith.cmpi eq, %get3A_1175, %eq3A_1177 : vector<16xi32>
      %jit3A_1179 = arith.constant 200 : i32
      %jit3A_1180 = arith.constant 0 : i32
      %broadcast_in_dim3A_1181 = vector.broadcast %jit3A_1179 : i32 to vector<16xi32>
      %broadcast_in_dim3A_1182 = vector.broadcast %jit3A_1180 : i32 to vector<16xi32>
      %select_n3A_1183 = arith.select %eq3A_1178, %broadcast_in_dim3A_1181, %broadcast_in_dim3A_1182 : vector<16xi1>, vector<16xi32>
      %add3A_1184 = arith.addi %sub3A_1170, %select_n3A_1183 : vector<16xi32>
      %swap3A_1185 = arith.constant 1 : i32
      %swap3A_1186 = arith.index_cast %swap3A_1185 : i32 to index
      %swap3A_1187 = arith.constant 48 : index
      %swap3A_1188 = tpu.vector_load %arg9[%swap3A_1186, %swap3A_1187] {strides = array<i32>} : memref<5x80xi32, #tpu.memory_space<vmem>>, vector<1x16xi32>,
      %swap3A_1189 = vector.shape_cast %swap3A_1188 : vector<1x16xi32> to vector<16xi32>
      %swap3A_1190 = vector.shape_cast %add3A_1184 : vector<16xi32> to vector<1x16xi32>
      tpu.vector_store %arg9[%swap3A_1186, %swap3A_1187], %swap3A_1190 {strides = array<i32>} : memref<5x80xi32, #tpu.memory_space<vmem>>, vector<1x16xi32>,
      %add3A_1191 = arith.constant 144 : i32
      %add3A_1192 = vector.broadcast %add3A_1191 : i32 to vector<16xi32>
      %add3A_1193 = arith.addi %add3A_1192, %iota3A : vector<16xi32>
      %ge3A_1194 = arith.constant 200 : i32
      %ge3A_1195 = vector.broadcast %ge3A_1194 : i32 to vector<16xi32>
      %ge3A_1196 = arith.cmpi sge, %add3A_1193, %ge3A_1195 : vector<16xi32>
      %jit3A_1197 = arith.constant 200 : i32
      %jit3A_1198 = arith.constant 0 : i32
      %broadcast_in_dim3A_1199 = vector.broadcast %jit3A_1197 : i32 to vector<16xi32>
      %broadcast_in_dim3A_1200 = vector.broadcast %jit3A_1198 : i32 to vector<16xi32>
      %select_n3A_1201 = arith.select %ge3A_1196, %broadcast_in_dim3A_1199, %broadcast_in_dim3A_1200 : vector<16xi1>, vector<16xi32>
      %sub3A_1202 = arith.subi %add3A_1193, %select_n3A_1201 : vector<16xi32>
      %get3A_1203 = arith.constant 1 : i32
      %get3A_1204 = arith.index_cast %get3A_1203 : i32 to index
      %get3A_1205 = arith.constant 64 : index
      %get3A_1206 = tpu.vector_load %arg7[%get3A_1204, %get3A_1205] {strides = array<i32>} : memref<5x80xi32, #tpu.memory_space<vmem>>, vector<1x16xi32>,
      %get3A_1207 = vector.shape_cast %get3A_1206 : vector<1x16xi32> to vector<16xi32>
      %eq3A_1208 = arith.constant 0 : i32
      %eq3A_1209 = vector.broadcast %eq3A_1208 : i32 to vector<16xi32>
      %eq3A_1210 = arith.cmpi eq, %get3A_1207, %eq3A_1209 : vector<16xi32>
      %jit3A_1211 = arith.constant 200 : i32
      %jit3A_1212 = arith.constant 0 : i32
      %broadcast_in_dim3A_1213 = vector.broadcast %jit3A_1211 : i32 to vector<16xi32>
      %broadcast_in_dim3A_1214 = vector.broadcast %jit3A_1212 : i32 to vector<16xi32>
      %select_n3A_1215 = arith.select %eq3A_1210, %broadcast_in_dim3A_1213, %broadcast_in_dim3A_1214 : vector<16xi1>, vector<16xi32>
      %add3A_1216 = arith.addi %sub3A_1202, %select_n3A_1215 : vector<16xi32>
      %swap3A_1217 = arith.constant 1 : i32
      %swap3A_1218 = arith.index_cast %swap3A_1217 : i32 to index
      %swap3A_1219 = arith.constant 64 : index
      %swap3A_1220 = tpu.vector_load %arg9[%swap3A_1218, %swap3A_1219] {strides = array<i32>} : memref<5x80xi32, #tpu.memory_space<vmem>>, vector<1x16xi32>,
      %swap3A_1221 = vector.shape_cast %swap3A_1220 : vector<1x16xi32> to vector<16xi32>
      %swap3A_1222 = vector.shape_cast %add3A_1216 : vector<16xi32> to vector<1x16xi32>
      tpu.vector_store %arg9[%swap3A_1218, %swap3A_1219], %swap3A_1222 {strides = array<i32>} : memref<5x80xi32, #tpu.memory_space<vmem>>, vector<1x16xi32>,
      %add3A_1223 = arith.constant 160 : i32
      %add3A_1224 = vector.broadcast %add3A_1223 : i32 to vector<16xi32>
      %add3A_1225 = arith.addi %add3A_1224, %iota3A : vector<16xi32>
      %ge3A_1226 = arith.constant 200 : i32
      %ge3A_1227 = vector.broadcast %ge3A_1226 : i32 to vector<16xi32>
      %ge3A_1228 = arith.cmpi sge, %add3A_1225, %ge3A_1227 : vector<16xi32>
      %jit3A_1229 = arith.constant 200 : i32
      %jit3A_1230 = arith.constant 0 : i32
      %broadcast_in_dim3A_1231 = vector.broadcast %jit3A_1229 : i32 to vector<16xi32>
      %broadcast_in_dim3A_1232 = vector.broadcast %jit3A_1230 : i32 to vector<16xi32>
      %select_n3A_1233 = arith.select %ge3A_1228, %broadcast_in_dim3A_1231, %broadcast_in_dim3A_1232 : vector<16xi1>, vector<16xi32>
      %sub3A_1234 = arith.subi %add3A_1225, %select_n3A_1233 : vector<16xi32>
      %get3A_1235 = arith.constant 2 : i32
      %get3A_1236 = arith.index_cast %get3A_1235 : i32 to index
      %get3A_1237 = arith.constant 0 : index
      %get3A_1238 = tpu.vector_load %arg7[%get3A_1236, %get3A_1237] {strides = array<i32>} : memref<5x80xi32, #tpu.memory_space<vmem>>, vector<1x16xi32>,
      %get3A_1239 = vector.shape_cast %get3A_1238 : vector<1x16xi32> to vector<16xi32>
      %eq3A_1240 = arith.constant 0 : i32
      %eq3A_1241 = vector.broadcast %eq3A_1240 : i32 to vector<16xi32>
      %eq3A_1242 = arith.cmpi eq, %get3A_1239, %eq3A_1241 : vector<16xi32>
      %jit3A_1243 = arith.constant 200 : i32
      %jit3A_1244 = arith.constant 0 : i32
      %broadcast_in_dim3A_1245 = vector.broadcast %jit3A_1243 : i32 to vector<16xi32>
      %broadcast_in_dim3A_1246 = vector.broadcast %jit3A_1244 : i32 to vector<16xi32>
      %select_n3A_1247 = arith.select %eq3A_1242, %broadcast_in_dim3A_1245, %broadcast_in_dim3A_1246 : vector<16xi1>, vector<16xi32>
      %add3A_1248 = arith.addi %sub3A_1234, %select_n3A_1247 : vector<16xi32>
      %swap3A_1249 = arith.constant 2 : i32
      %swap3A_1250 = arith.index_cast %swap3A_1249 : i32 to index
      %swap3A_1251 = arith.constant 0 : index
      %swap3A_1252 = tpu.vector_load %arg9[%swap3A_1250, %swap3A_1251] {strides = array<i32>} : memref<5x80xi32, #tpu.memory_space<vmem>>, vector<1x16xi32>,
      %swap3A_1253 = vector.shape_cast %swap3A_1252 : vector<1x16xi32> to vector<16xi32>
      %swap3A_1254 = vector.shape_cast %add3A_1248 : vector<16xi32> to vector<1x16xi32>
      tpu.vector_store %arg9[%swap3A_1250, %swap3A_1251], %swap3A_1254 {strides = array<i32>} : memref<5x80xi32, #tpu.memory_space<vmem>>, vector<1x16xi32>,
      %add3A_1255 = arith.constant 176 : i32
      %add3A_1256 = vector.broadcast %add3A_1255 : i32 to vector<16xi32>
      %add3A_1257 = arith.addi %add3A_1256, %iota3A : vector<16xi32>
      %ge3A_1258 = arith.constant 200 : i32
      %ge3A_1259 = vector.broadcast %ge3A_1258 : i32 to vector<16xi32>
      %ge3A_1260 = arith.cmpi sge, %add3A_1257, %ge3A_1259 : vector<16xi32>
      %jit3A_1261 = arith.constant 200 : i32
      %jit3A_1262 = arith.constant 0 : i32
      %broadcast_in_dim3A_1263 = vector.broadcast %jit3A_1261 : i32 to vector<16xi32>
      %broadcast_in_dim3A_1264 = vector.broadcast %jit3A_1262 : i32 to vector<16xi32>
      %select_n3A_1265 = arith.select %ge3A_1260, %broadcast_in_dim3A_1263, %broadcast_in_dim3A_1264 : vector<16xi1>, vector<16xi32>
      %sub3A_1266 = arith.subi %add3A_1257, %select_n3A_1265 : vector<16xi32>
      %get3A_1267 = arith.constant 2 : i32
      %get3A_1268 = arith.index_cast %get3A_1267 : i32 to index
      %get3A_1269 = arith.constant 16 : index
      %get3A_1270 = tpu.vector_load %arg7[%get3A_1268, %get3A_1269] {strides = array<i32>} : memref<5x80xi32, #tpu.memory_space<vmem>>, vector<1x16xi32>,
      %get3A_1271 = vector.shape_cast %get3A_1270 : vector<1x16xi32> to vector<16xi32>
      %eq3A_1272 = arith.constant 0 : i32
      %eq3A_1273 = vector.broadcast %eq3A_1272 : i32 to vector<16xi32>
      %eq3A_1274 = arith.cmpi eq, %get3A_1271, %eq3A_1273 : vector<16xi32>
      %jit3A_1275 = arith.constant 200 : i32
      %jit3A_1276 = arith.constant 0 : i32
      %broadcast_in_dim3A_1277 = vector.broadcast %jit3A_1275 : i32 to vector<16xi32>
      %broadcast_in_dim3A_1278 = vector.broadcast %jit3A_1276 : i32 to vector<16xi32>
      %select_n3A_1279 = arith.select %eq3A_1274, %broadcast_in_dim3A_1277, %broadcast_in_dim3A_1278 : vector<16xi1>, vector<16xi32>
      %add3A_1280 = arith.addi %sub3A_1266, %select_n3A_1279 : vector<16xi32>
      %swap3A_1281 = arith.constant 2 : i32
      %swap3A_1282 = arith.index_cast %swap3A_1281 : i32 to index
      %swap3A_1283 = arith.constant 16 : index
      %swap3A_1284 = tpu.vector_load %arg9[%swap3A_1282, %swap3A_1283] {strides = array<i32>} : memref<5x80xi32, #tpu.memory_space<vmem>>, vector<1x16xi32>,
      %swap3A_1285 = vector.shape_cast %swap3A_1284 : vector<1x16xi32> to vector<16xi32>
      %swap3A_1286 = vector.shape_cast %add3A_1280 : vector<16xi32> to vector<1x16xi32>
      tpu.vector_store %arg9[%swap3A_1282, %swap3A_1283], %swap3A_1286 {strides = array<i32>} : memref<5x80xi32, #tpu.memory_space<vmem>>, vector<1x16xi32>,
      %add3A_1287 = arith.constant 192 : i32
      %add3A_1288 = vector.broadcast %add3A_1287 : i32 to vector<16xi32>
      %add3A_1289 = arith.addi %add3A_1288, %iota3A : vector<16xi32>
      %ge3A_1290 = arith.constant 200 : i32
      %ge3A_1291 = vector.broadcast %ge3A_1290 : i32 to vector<16xi32>
      %ge3A_1292 = arith.cmpi sge, %add3A_1289, %ge3A_1291 : vector<16xi32>
      %jit3A_1293 = arith.constant 200 : i32
      %jit3A_1294 = arith.constant 0 : i32
      %broadcast_in_dim3A_1295 = vector.broadcast %jit3A_1293 : i32 to vector<16xi32>
      %broadcast_in_dim3A_1296 = vector.broadcast %jit3A_1294 : i32 to vector<16xi32>
      %select_n3A_1297 = arith.select %ge3A_1292, %broadcast_in_dim3A_1295, %broadcast_in_dim3A_1296 : vector<16xi1>, vector<16xi32>
      %sub3A_1298 = arith.subi %add3A_1289, %select_n3A_1297 : vector<16xi32>
      %get3A_1299 = arith.constant 2 : i32
      %get3A_1300 = arith.index_cast %get3A_1299 : i32 to index
      %get3A_1301 = arith.constant 32 : index
      %get3A_1302 = tpu.vector_load %arg7[%get3A_1300, %get3A_1301] {strides = array<i32>} : memref<5x80xi32, #tpu.memory_space<vmem>>, vector<1x16xi32>,
      %get3A_1303 = vector.shape_cast %get3A_1302 : vector<1x16xi32> to vector<16xi32>
      %eq3A_1304 = arith.constant 0 : i32
      %eq3A_1305 = vector.broadcast %eq3A_1304 : i32 to vector<16xi32>
      %eq3A_1306 = arith.cmpi eq, %get3A_1303, %eq3A_1305 : vector<16xi32>
      %jit3A_1307 = arith.constant 200 : i32
      %jit3A_1308 = arith.constant 0 : i32
      %broadcast_in_dim3A_1309 = vector.broadcast %jit3A_1307 : i32 to vector<16xi32>
      %broadcast_in_dim3A_1310 = vector.broadcast %jit3A_1308 : i32 to vector<16xi32>
      %select_n3A_1311 = arith.select %eq3A_1306, %broadcast_in_dim3A_1309, %broadcast_in_dim3A_1310 : vector<16xi1>, vector<16xi32>
      %add3A_1312 = arith.addi %sub3A_1298, %select_n3A_1311 : vector<16xi32>
      %swap3A_1313 = arith.constant 2 : i32
      %swap3A_1314 = arith.index_cast %swap3A_1313 : i32 to index
      %swap3A_1315 = arith.constant 32 : index
      %swap3A_1316 = tpu.vector_load %arg9[%swap3A_1314, %swap3A_1315] {strides = array<i32>} : memref<5x80xi32, #tpu.memory_space<vmem>>, vector<1x16xi32>,
      %swap3A_1317 = vector.shape_cast %swap3A_1316 : vector<1x16xi32> to vector<16xi32>
      %swap3A_1318 = vector.shape_cast %add3A_1312 : vector<16xi32> to vector<1x16xi32>
      tpu.vector_store %arg9[%swap3A_1314, %swap3A_1315], %swap3A_1318 {strides = array<i32>} : memref<5x80xi32, #tpu.memory_space<vmem>>, vector<1x16xi32>,
      %add3A_1319 = arith.constant 208 : i32
      %add3A_1320 = vector.broadcast %add3A_1319 : i32 to vector<16xi32>
      %add3A_1321 = arith.addi %add3A_1320, %iota3A : vector<16xi32>
      %ge3A_1322 = arith.constant 200 : i32
      %ge3A_1323 = vector.broadcast %ge3A_1322 : i32 to vector<16xi32>
      %ge3A_1324 = arith.cmpi sge, %add3A_1321, %ge3A_1323 : vector<16xi32>
      %jit3A_1325 = arith.constant 200 : i32
      %jit3A_1326 = arith.constant 0 : i32
      %broadcast_in_dim3A_1327 = vector.broadcast %jit3A_1325 : i32 to vector<16xi32>
      %broadcast_in_dim3A_1328 = vector.broadcast %jit3A_1326 : i32 to vector<16xi32>
      %select_n3A_1329 = arith.select %ge3A_1324, %broadcast_in_dim3A_1327, %broadcast_in_dim3A_1328 : vector<16xi1>, vector<16xi32>
      %sub3A_1330 = arith.subi %add3A_1321, %select_n3A_1329 : vector<16xi32>
      %get3A_1331 = arith.constant 2 : i32
      %get3A_1332 = arith.index_cast %get3A_1331 : i32 to index
      %get3A_1333 = arith.constant 48 : index
      %get3A_1334 = tpu.vector_load %arg7[%get3A_1332, %get3A_1333] {strides = array<i32>} : memref<5x80xi32, #tpu.memory_space<vmem>>, vector<1x16xi32>,
      %get3A_1335 = vector.shape_cast %get3A_1334 : vector<1x16xi32> to vector<16xi32>
      %eq3A_1336 = arith.constant 0 : i32
      %eq3A_1337 = vector.broadcast %eq3A_1336 : i32 to vector<16xi32>
      %eq3A_1338 = arith.cmpi eq, %get3A_1335, %eq3A_1337 : vector<16xi32>
      %jit3A_1339 = arith.constant 200 : i32
      %jit3A_1340 = arith.constant 0 : i32
      %broadcast_in_dim3A_1341 = vector.broadcast %jit3A_1339 : i32 to vector<16xi32>
      %broadcast_in_dim3A_1342 = vector.broadcast %jit3A_1340 : i32 to vector<16xi32>
      %select_n3A_1343 = arith.select %eq3A_1338, %broadcast_in_dim3A_1341, %broadcast_in_dim3A_1342 : vector<16xi1>, vector<16xi32>
      %add3A_1344 = arith.addi %sub3A_1330, %select_n3A_1343 : vector<16xi32>
      %swap3A_1345 = arith.constant 2 : i32
      %swap3A_1346 = arith.index_cast %swap3A_1345 : i32 to index
      %swap3A_1347 = arith.constant 48 : index
      %swap3A_1348 = tpu.vector_load %arg9[%swap3A_1346, %swap3A_1347] {strides = array<i32>} : memref<5x80xi32, #tpu.memory_space<vmem>>, vector<1x16xi32>,
      %swap3A_1349 = vector.shape_cast %swap3A_1348 : vector<1x16xi32> to vector<16xi32>
      %swap3A_1350 = vector.shape_cast %add3A_1344 : vector<16xi32> to vector<1x16xi32>
      tpu.vector_store %arg9[%swap3A_1346, %swap3A_1347], %swap3A_1350 {strides = array<i32>} : memref<5x80xi32, #tpu.memory_space<vmem>>, vector<1x16xi32>,
      %add3A_1351 = arith.constant 224 : i32
      %add3A_1352 = vector.broadcast %add3A_1351 : i32 to vector<16xi32>
      %add3A_1353 = arith.addi %add3A_1352, %iota3A : vector<16xi32>
      %ge3A_1354 = arith.constant 200 : i32
      %ge3A_1355 = vector.broadcast %ge3A_1354 : i32 to vector<16xi32>
      %ge3A_1356 = arith.cmpi sge, %add3A_1353, %ge3A_1355 : vector<16xi32>
      %jit3A_1357 = arith.constant 200 : i32
      %jit3A_1358 = arith.constant 0 : i32
      %broadcast_in_dim3A_1359 = vector.broadcast %jit3A_1357 : i32 to vector<16xi32>
      %broadcast_in_dim3A_1360 = vector.broadcast %jit3A_1358 : i32 to vector<16xi32>
      %select_n3A_1361 = arith.select %ge3A_1356, %broadcast_in_dim3A_1359, %broadcast_in_dim3A_1360 : vector<16xi1>, vector<16xi32>
      %sub3A_1362 = arith.subi %add3A_1353, %select_n3A_1361 : vector<16xi32>
      %get3A_1363 = arith.constant 2 : i32
      %get3A_1364 = arith.index_cast %get3A_1363 : i32 to index
      %get3A_1365 = arith.constant 64 : index
      %get3A_1366 = tpu.vector_load %arg7[%get3A_1364, %get3A_1365] {strides = array<i32>} : memref<5x80xi32, #tpu.memory_space<vmem>>, vector<1x16xi32>,
      %get3A_1367 = vector.shape_cast %get3A_1366 : vector<1x16xi32> to vector<16xi32>
      %eq3A_1368 = arith.constant 0 : i32
      %eq3A_1369 = vector.broadcast %eq3A_1368 : i32 to vector<16xi32>
      %eq3A_1370 = arith.cmpi eq, %get3A_1367, %eq3A_1369 : vector<16xi32>
      %jit3A_1371 = arith.constant 200 : i32
      %jit3A_1372 = arith.constant 0 : i32
      %broadcast_in_dim3A_1373 = vector.broadcast %jit3A_1371 : i32 to vector<16xi32>
      %broadcast_in_dim3A_1374 = vector.broadcast %jit3A_1372 : i32 to vector<16xi32>
      %select_n3A_1375 = arith.select %eq3A_1370, %broadcast_in_dim3A_1373, %broadcast_in_dim3A_1374 : vector<16xi1>, vector<16xi32>
      %add3A_1376 = arith.addi %sub3A_1362, %select_n3A_1375 : vector<16xi32>
      %swap3A_1377 = arith.constant 2 : i32
      %swap3A_1378 = arith.index_cast %swap3A_1377 : i32 to index
      %swap3A_1379 = arith.constant 64 : index
      %swap3A_1380 = tpu.vector_load %arg9[%swap3A_1378, %swap3A_1379] {strides = array<i32>} : memref<5x80xi32, #tpu.memory_space<vmem>>, vector<1x16xi32>,
      %swap3A_1381 = vector.shape_cast %swap3A_1380 : vector<1x16xi32> to vector<16xi32>
      %swap3A_1382 = vector.shape_cast %add3A_1376 : vector<16xi32> to vector<1x16xi32>
      tpu.vector_store %arg9[%swap3A_1378, %swap3A_1379], %swap3A_1382 {strides = array<i32>} : memref<5x80xi32, #tpu.memory_space<vmem>>, vector<1x16xi32>,
      %add3A_1383 = arith.constant 240 : i32
      %add3A_1384 = vector.broadcast %add3A_1383 : i32 to vector<16xi32>
      %add3A_1385 = arith.addi %add3A_1384, %iota3A : vector<16xi32>
      %ge3A_1386 = arith.constant 200 : i32
      %ge3A_1387 = vector.broadcast %ge3A_1386 : i32 to vector<16xi32>
      %ge3A_1388 = arith.cmpi sge, %add3A_1385, %ge3A_1387 : vector<16xi32>
      %jit3A_1389 = arith.constant 200 : i32
      %jit3A_1390 = arith.constant 0 : i32
      %broadcast_in_dim3A_1391 = vector.broadcast %jit3A_1389 : i32 to vector<16xi32>
      %broadcast_in_dim3A_1392 = vector.broadcast %jit3A_1390 : i32 to vector<16xi32>
      %select_n3A_1393 = arith.select %ge3A_1388, %broadcast_in_dim3A_1391, %broadcast_in_dim3A_1392 : vector<16xi1>, vector<16xi32>
      %sub3A_1394 = arith.subi %add3A_1385, %select_n3A_1393 : vector<16xi32>
      %get3A_1395 = arith.constant 3 : i32
      %get3A_1396 = arith.index_cast %get3A_1395 : i32 to index
      %get3A_1397 = arith.constant 0 : index
      %get3A_1398 = tpu.vector_load %arg7[%get3A_1396, %get3A_1397] {strides = array<i32>} : memref<5x80xi32, #tpu.memory_space<vmem>>, vector<1x16xi32>,
      %get3A_1399 = vector.shape_cast %get3A_1398 : vector<1x16xi32> to vector<16xi32>
      %eq3A_1400 = arith.constant 0 : i32
      %eq3A_1401 = vector.broadcast %eq3A_1400 : i32 to vector<16xi32>
      %eq3A_1402 = arith.cmpi eq, %get3A_1399, %eq3A_1401 : vector<16xi32>
      %jit3A_1403 = arith.constant 200 : i32
      %jit3A_1404 = arith.constant 0 : i32
      %broadcast_in_dim3A_1405 = vector.broadcast %jit3A_1403 : i32 to vector<16xi32>
      %broadcast_in_dim3A_1406 = vector.broadcast %jit3A_1404 : i32 to vector<16xi32>
      %select_n3A_1407 = arith.select %eq3A_1402, %broadcast_in_dim3A_1405, %broadcast_in_dim3A_1406 : vector<16xi1>, vector<16xi32>
      %add3A_1408 = arith.addi %sub3A_1394, %select_n3A_1407 : vector<16xi32>
      %swap3A_1409 = arith.constant 3 : i32
      %swap3A_1410 = arith.index_cast %swap3A_1409 : i32 to index
      %swap3A_1411 = arith.constant 0 : index
      %swap3A_1412 = tpu.vector_load %arg9[%swap3A_1410, %swap3A_1411] {strides = array<i32>} : memref<5x80xi32, #tpu.memory_space<vmem>>, vector<1x16xi32>,
      %swap3A_1413 = vector.shape_cast %swap3A_1412 : vector<1x16xi32> to vector<16xi32>
      %swap3A_1414 = vector.shape_cast %add3A_1408 : vector<16xi32> to vector<1x16xi32>
      tpu.vector_store %arg9[%swap3A_1410, %swap3A_1411], %swap3A_1414 {strides = array<i32>} : memref<5x80xi32, #tpu.memory_space<vmem>>, vector<1x16xi32>,
      %add3A_1415 = arith.constant 256 : i32
      %add3A_1416 = vector.broadcast %add3A_1415 : i32 to vector<16xi32>
      %add3A_1417 = arith.addi %add3A_1416, %iota3A : vector<16xi32>
      %ge3A_1418 = arith.constant 200 : i32
      %ge3A_1419 = vector.broadcast %ge3A_1418 : i32 to vector<16xi32>
      %ge3A_1420 = arith.cmpi sge, %add3A_1417, %ge3A_1419 : vector<16xi32>
      %jit3A_1421 = arith.constant 200 : i32
      %jit3A_1422 = arith.constant 0 : i32
      %broadcast_in_dim3A_1423 = vector.broadcast %jit3A_1421 : i32 to vector<16xi32>
      %broadcast_in_dim3A_1424 = vector.broadcast %jit3A_1422 : i32 to vector<16xi32>
      %select_n3A_1425 = arith.select %ge3A_1420, %broadcast_in_dim3A_1423, %broadcast_in_dim3A_1424 : vector<16xi1>, vector<16xi32>
      %sub3A_1426 = arith.subi %add3A_1417, %select_n3A_1425 : vector<16xi32>
      %get3A_1427 = arith.constant 3 : i32
      %get3A_1428 = arith.index_cast %get3A_1427 : i32 to index
      %get3A_1429 = arith.constant 16 : index
      %get3A_1430 = tpu.vector_load %arg7[%get3A_1428, %get3A_1429] {strides = array<i32>} : memref<5x80xi32, #tpu.memory_space<vmem>>, vector<1x16xi32>,
      %get3A_1431 = vector.shape_cast %get3A_1430 : vector<1x16xi32> to vector<16xi32>
      %eq3A_1432 = arith.constant 0 : i32
      %eq3A_1433 = vector.broadcast %eq3A_1432 : i32 to vector<16xi32>
      %eq3A_1434 = arith.cmpi eq, %get3A_1431, %eq3A_1433 : vector<16xi32>
      %jit3A_1435 = arith.constant 200 : i32
      %jit3A_1436 = arith.constant 0 : i32
      %broadcast_in_dim3A_1437 = vector.broadcast %jit3A_1435 : i32 to vector<16xi32>
      %broadcast_in_dim3A_1438 = vector.broadcast %jit3A_1436 : i32 to vector<16xi32>
      %select_n3A_1439 = arith.select %eq3A_1434, %broadcast_in_dim3A_1437, %broadcast_in_dim3A_1438 : vector<16xi1>, vector<16xi32>
      %add3A_1440 = arith.addi %sub3A_1426, %select_n3A_1439 : vector<16xi32>
      %swap3A_1441 = arith.constant 3 : i32
      %swap3A_1442 = arith.index_cast %swap3A_1441 : i32 to index
      %swap3A_1443 = arith.constant 16 : index
      %swap3A_1444 = tpu.vector_load %arg9[%swap3A_1442, %swap3A_1443] {strides = array<i32>} : memref<5x80xi32, #tpu.memory_space<vmem>>, vector<1x16xi32>,
      %swap3A_1445 = vector.shape_cast %swap3A_1444 : vector<1x16xi32> to vector<16xi32>
      %swap3A_1446 = vector.shape_cast %add3A_1440 : vector<16xi32> to vector<1x16xi32>
      tpu.vector_store %arg9[%swap3A_1442, %swap3A_1443], %swap3A_1446 {strides = array<i32>} : memref<5x80xi32, #tpu.memory_space<vmem>>, vector<1x16xi32>,
      %add3A_1447 = arith.constant 272 : i32
      %add3A_1448 = vector.broadcast %add3A_1447 : i32 to vector<16xi32>
      %add3A_1449 = arith.addi %add3A_1448, %iota3A : vector<16xi32>
      %ge3A_1450 = arith.constant 200 : i32
      %ge3A_1451 = vector.broadcast %ge3A_1450 : i32 to vector<16xi32>
      %ge3A_1452 = arith.cmpi sge, %add3A_1449, %ge3A_1451 : vector<16xi32>
      %jit3A_1453 = arith.constant 200 : i32
      %jit3A_1454 = arith.constant 0 : i32
      %broadcast_in_dim3A_1455 = vector.broadcast %jit3A_1453 : i32 to vector<16xi32>
      %broadcast_in_dim3A_1456 = vector.broadcast %jit3A_1454 : i32 to vector<16xi32>
      %select_n3A_1457 = arith.select %ge3A_1452, %broadcast_in_dim3A_1455, %broadcast_in_dim3A_1456 : vector<16xi1>, vector<16xi32>
      %sub3A_1458 = arith.subi %add3A_1449, %select_n3A_1457 : vector<16xi32>
      %get3A_1459 = arith.constant 3 : i32
      %get3A_1460 = arith.index_cast %get3A_1459 : i32 to index
      %get3A_1461 = arith.constant 32 : index
      %get3A_1462 = tpu.vector_load %arg7[%get3A_1460, %get3A_1461] {strides = array<i32>} : memref<5x80xi32, #tpu.memory_space<vmem>>, vector<1x16xi32>,
      %get3A_1463 = vector.shape_cast %get3A_1462 : vector<1x16xi32> to vector<16xi32>
      %eq3A_1464 = arith.constant 0 : i32
      %eq3A_1465 = vector.broadcast %eq3A_1464 : i32 to vector<16xi32>
      %eq3A_1466 = arith.cmpi eq, %get3A_1463, %eq3A_1465 : vector<16xi32>
      %jit3A_1467 = arith.constant 200 : i32
      %jit3A_1468 = arith.constant 0 : i32
      %broadcast_in_dim3A_1469 = vector.broadcast %jit3A_1467 : i32 to vector<16xi32>
      %broadcast_in_dim3A_1470 = vector.broadcast %jit3A_1468 : i32 to vector<16xi32>
      %select_n3A_1471 = arith.select %eq3A_1466, %broadcast_in_dim3A_1469, %broadcast_in_dim3A_1470 : vector<16xi1>, vector<16xi32>
      %add3A_1472 = arith.addi %sub3A_1458, %select_n3A_1471 : vector<16xi32>
      %swap3A_1473 = arith.constant 3 : i32
      %swap3A_1474 = arith.index_cast %swap3A_1473 : i32 to index
      %swap3A_1475 = arith.constant 32 : index
      %swap3A_1476 = tpu.vector_load %arg9[%swap3A_1474, %swap3A_1475] {strides = array<i32>} : memref<5x80xi32, #tpu.memory_space<vmem>>, vector<1x16xi32>,
      %swap3A_1477 = vector.shape_cast %swap3A_1476 : vector<1x16xi32> to vector<16xi32>
      %swap3A_1478 = vector.shape_cast %add3A_1472 : vector<16xi32> to vector<1x16xi32>
      tpu.vector_store %arg9[%swap3A_1474, %swap3A_1475], %swap3A_1478 {strides = array<i32>} : memref<5x80xi32, #tpu.memory_space<vmem>>, vector<1x16xi32>,
      %add3A_1479 = arith.constant 288 : i32
      %add3A_1480 = vector.broadcast %add3A_1479 : i32 to vector<16xi32>
      %add3A_1481 = arith.addi %add3A_1480, %iota3A : vector<16xi32>
      %ge3A_1482 = arith.constant 200 : i32
      %ge3A_1483 = vector.broadcast %ge3A_1482 : i32 to vector<16xi32>
      %ge3A_1484 = arith.cmpi sge, %add3A_1481, %ge3A_1483 : vector<16xi32>
      %jit3A_1485 = arith.constant 200 : i32
      %jit3A_1486 = arith.constant 0 : i32
      %broadcast_in_dim3A_1487 = vector.broadcast %jit3A_1485 : i32 to vector<16xi32>
      %broadcast_in_dim3A_1488 = vector.broadcast %jit3A_1486 : i32 to vector<16xi32>
      %select_n3A_1489 = arith.select %ge3A_1484, %broadcast_in_dim3A_1487, %broadcast_in_dim3A_1488 : vector<16xi1>, vector<16xi32>
      %sub3A_1490 = arith.subi %add3A_1481, %select_n3A_1489 : vector<16xi32>
      %get3A_1491 = arith.constant 3 : i32
      %get3A_1492 = arith.index_cast %get3A_1491 : i32 to index
      %get3A_1493 = arith.constant 48 : index
      %get3A_1494 = tpu.vector_load %arg7[%get3A_1492, %get3A_1493] {strides = array<i32>} : memref<5x80xi32, #tpu.memory_space<vmem>>, vector<1x16xi32>,
      %get3A_1495 = vector.shape_cast %get3A_1494 : vector<1x16xi32> to vector<16xi32>
      %eq3A_1496 = arith.constant 0 : i32
      %eq3A_1497 = vector.broadcast %eq3A_1496 : i32 to vector<16xi32>
      %eq3A_1498 = arith.cmpi eq, %get3A_1495, %eq3A_1497 : vector<16xi32>
      %jit3A_1499 = arith.constant 200 : i32
      %jit3A_1500 = arith.constant 0 : i32
      %broadcast_in_dim3A_1501 = vector.broadcast %jit3A_1499 : i32 to vector<16xi32>
      %broadcast_in_dim3A_1502 = vector.broadcast %jit3A_1500 : i32 to vector<16xi32>
      %select_n3A_1503 = arith.select %eq3A_1498, %broadcast_in_dim3A_1501, %broadcast_in_dim3A_1502 : vector<16xi1>, vector<16xi32>
      %add3A_1504 = arith.addi %sub3A_1490, %select_n3A_1503 : vector<16xi32>
      %swap3A_1505 = arith.constant 3 : i32
      %swap3A_1506 = arith.index_cast %swap3A_1505 : i32 to index
      %swap3A_1507 = arith.constant 48 : index
      %swap3A_1508 = tpu.vector_load %arg9[%swap3A_1506, %swap3A_1507] {strides = array<i32>} : memref<5x80xi32, #tpu.memory_space<vmem>>, vector<1x16xi32>,
      %swap3A_1509 = vector.shape_cast %swap3A_1508 : vector<1x16xi32> to vector<16xi32>
      %swap3A_1510 = vector.shape_cast %add3A_1504 : vector<16xi32> to vector<1x16xi32>
      tpu.vector_store %arg9[%swap3A_1506, %swap3A_1507], %swap3A_1510 {strides = array<i32>} : memref<5x80xi32, #tpu.memory_space<vmem>>, vector<1x16xi32>,
      %add3A_1511 = arith.constant 304 : i32
      %add3A_1512 = vector.broadcast %add3A_1511 : i32 to vector<16xi32>
      %add3A_1513 = arith.addi %add3A_1512, %iota3A : vector<16xi32>
      %ge3A_1514 = arith.constant 200 : i32
      %ge3A_1515 = vector.broadcast %ge3A_1514 : i32 to vector<16xi32>
      %ge3A_1516 = arith.cmpi sge, %add3A_1513, %ge3A_1515 : vector<16xi32>
      %jit3A_1517 = arith.constant 200 : i32
      %jit3A_1518 = arith.constant 0 : i32
      %broadcast_in_dim3A_1519 = vector.broadcast %jit3A_1517 : i32 to vector<16xi32>
      %broadcast_in_dim3A_1520 = vector.broadcast %jit3A_1518 : i32 to vector<16xi32>
      %select_n3A_1521 = arith.select %ge3A_1516, %broadcast_in_dim3A_1519, %broadcast_in_dim3A_1520 : vector<16xi1>, vector<16xi32>
      %sub3A_1522 = arith.subi %add3A_1513, %select_n3A_1521 : vector<16xi32>
      %get3A_1523 = arith.constant 3 : i32
      %get3A_1524 = arith.index_cast %get3A_1523 : i32 to index
      %get3A_1525 = arith.constant 64 : index
      %get3A_1526 = tpu.vector_load %arg7[%get3A_1524, %get3A_1525] {strides = array<i32>} : memref<5x80xi32, #tpu.memory_space<vmem>>, vector<1x16xi32>,
      %get3A_1527 = vector.shape_cast %get3A_1526 : vector<1x16xi32> to vector<16xi32>
      %eq3A_1528 = arith.constant 0 : i32
      %eq3A_1529 = vector.broadcast %eq3A_1528 : i32 to vector<16xi32>
      %eq3A_1530 = arith.cmpi eq, %get3A_1527, %eq3A_1529 : vector<16xi32>
      %jit3A_1531 = arith.constant 200 : i32
      %jit3A_1532 = arith.constant 0 : i32
      %broadcast_in_dim3A_1533 = vector.broadcast %jit3A_1531 : i32 to vector<16xi32>
      %broadcast_in_dim3A_1534 = vector.broadcast %jit3A_1532 : i32 to vector<16xi32>
      %select_n3A_1535 = arith.select %eq3A_1530, %broadcast_in_dim3A_1533, %broadcast_in_dim3A_1534 : vector<16xi1>, vector<16xi32>
      %add3A_1536 = arith.addi %sub3A_1522, %select_n3A_1535 : vector<16xi32>
      %swap3A_1537 = arith.constant 3 : i32
      %swap3A_1538 = arith.index_cast %swap3A_1537 : i32 to index
      %swap3A_1539 = arith.constant 64 : index
      %swap3A_1540 = tpu.vector_load %arg9[%swap3A_1538, %swap3A_1539] {strides = array<i32>} : memref<5x80xi32, #tpu.memory_space<vmem>>, vector<1x16xi32>,
      %swap3A_1541 = vector.shape_cast %swap3A_1540 : vector<1x16xi32> to vector<16xi32>
      %swap3A_1542 = vector.shape_cast %add3A_1536 : vector<16xi32> to vector<1x16xi32>
      tpu.vector_store %arg9[%swap3A_1538, %swap3A_1539], %swap3A_1542 {strides = array<i32>} : memref<5x80xi32, #tpu.memory_space<vmem>>, vector<1x16xi32>,
      %add3A_1543 = arith.constant 320 : i32
      %add3A_1544 = vector.broadcast %add3A_1543 : i32 to vector<16xi32>
      %add3A_1545 = arith.addi %add3A_1544, %iota3A : vector<16xi32>
      %ge3A_1546 = arith.constant 200 : i32
      %ge3A_1547 = vector.broadcast %ge3A_1546 : i32 to vector<16xi32>
      %ge3A_1548 = arith.cmpi sge, %add3A_1545, %ge3A_1547 : vector<16xi32>
      %jit3A_1549 = arith.constant 200 : i32
      %jit3A_1550 = arith.constant 0 : i32
      %broadcast_in_dim3A_1551 = vector.broadcast %jit3A_1549 : i32 to vector<16xi32>
      %broadcast_in_dim3A_1552 = vector.broadcast %jit3A_1550 : i32 to vector<16xi32>
      %select_n3A_1553 = arith.select %ge3A_1548, %broadcast_in_dim3A_1551, %broadcast_in_dim3A_1552 : vector<16xi1>, vector<16xi32>
      %sub3A_1554 = arith.subi %add3A_1545, %select_n3A_1553 : vector<16xi32>
      %get3A_1555 = arith.constant 4 : i32
      %get3A_1556 = arith.index_cast %get3A_1555 : i32 to index
      %get3A_1557 = arith.constant 0 : index
      %get3A_1558 = tpu.vector_load %arg7[%get3A_1556, %get3A_1557] {strides = array<i32>} : memref<5x80xi32, #tpu.memory_space<vmem>>, vector<1x16xi32>,
      %get3A_1559 = vector.shape_cast %get3A_1558 : vector<1x16xi32> to vector<16xi32>
      %eq3A_1560 = arith.constant 0 : i32
      %eq3A_1561 = vector.broadcast %eq3A_1560 : i32 to vector<16xi32>
      %eq3A_1562 = arith.cmpi eq, %get3A_1559, %eq3A_1561 : vector<16xi32>
      %jit3A_1563 = arith.constant 200 : i32
      %jit3A_1564 = arith.constant 0 : i32
      %broadcast_in_dim3A_1565 = vector.broadcast %jit3A_1563 : i32 to vector<16xi32>
      %broadcast_in_dim3A_1566 = vector.broadcast %jit3A_1564 : i32 to vector<16xi32>
      %select_n3A_1567 = arith.select %eq3A_1562, %broadcast_in_dim3A_1565, %broadcast_in_dim3A_1566 : vector<16xi1>, vector<16xi32>
      %add3A_1568 = arith.addi %sub3A_1554, %select_n3A_1567 : vector<16xi32>
      %swap3A_1569 = arith.constant 4 : i32
      %swap3A_1570 = arith.index_cast %swap3A_1569 : i32 to index
      %swap3A_1571 = arith.constant 0 : index
      %swap3A_1572 = tpu.vector_load %arg9[%swap3A_1570, %swap3A_1571] {strides = array<i32>} : memref<5x80xi32, #tpu.memory_space<vmem>>, vector<1x16xi32>,
      %swap3A_1573 = vector.shape_cast %swap3A_1572 : vector<1x16xi32> to vector<16xi32>
      %swap3A_1574 = vector.shape_cast %add3A_1568 : vector<16xi32> to vector<1x16xi32>
      tpu.vector_store %arg9[%swap3A_1570, %swap3A_1571], %swap3A_1574 {strides = array<i32>} : memref<5x80xi32, #tpu.memory_space<vmem>>, vector<1x16xi32>,
      %add3A_1575 = arith.constant 336 : i32
      %add3A_1576 = vector.broadcast %add3A_1575 : i32 to vector<16xi32>
      %add3A_1577 = arith.addi %add3A_1576, %iota3A : vector<16xi32>
      %ge3A_1578 = arith.constant 200 : i32
      %ge3A_1579 = vector.broadcast %ge3A_1578 : i32 to vector<16xi32>
      %ge3A_1580 = arith.cmpi sge, %add3A_1577, %ge3A_1579 : vector<16xi32>
      %jit3A_1581 = arith.constant 200 : i32
      %jit3A_1582 = arith.constant 0 : i32
      %broadcast_in_dim3A_1583 = vector.broadcast %jit3A_1581 : i32 to vector<16xi32>
      %broadcast_in_dim3A_1584 = vector.broadcast %jit3A_1582 : i32 to vector<16xi32>
      %select_n3A_1585 = arith.select %ge3A_1580, %broadcast_in_dim3A_1583, %broadcast_in_dim3A_1584 : vector<16xi1>, vector<16xi32>
      %sub3A_1586 = arith.subi %add3A_1577, %select_n3A_1585 : vector<16xi32>
      %get3A_1587 = arith.constant 4 : i32
      %get3A_1588 = arith.index_cast %get3A_1587 : i32 to index
      %get3A_1589 = arith.constant 16 : index
      %get3A_1590 = tpu.vector_load %arg7[%get3A_1588, %get3A_1589] {strides = array<i32>} : memref<5x80xi32, #tpu.memory_space<vmem>>, vector<1x16xi32>,
      %get3A_1591 = vector.shape_cast %get3A_1590 : vector<1x16xi32> to vector<16xi32>
      %eq3A_1592 = arith.constant 0 : i32
      %eq3A_1593 = vector.broadcast %eq3A_1592 : i32 to vector<16xi32>
      %eq3A_1594 = arith.cmpi eq, %get3A_1591, %eq3A_1593 : vector<16xi32>
      %jit3A_1595 = arith.constant 200 : i32
      %jit3A_1596 = arith.constant 0 : i32
      %broadcast_in_dim3A_1597 = vector.broadcast %jit3A_1595 : i32 to vector<16xi32>
      %broadcast_in_dim3A_1598 = vector.broadcast %jit3A_1596 : i32 to vector<16xi32>
      %select_n3A_1599 = arith.select %eq3A_1594, %broadcast_in_dim3A_1597, %broadcast_in_dim3A_1598 : vector<16xi1>, vector<16xi32>
      %add3A_1600 = arith.addi %sub3A_1586, %select_n3A_1599 : vector<16xi32>
      %swap3A_1601 = arith.constant 4 : i32
      %swap3A_1602 = arith.index_cast %swap3A_1601 : i32 to index
      %swap3A_1603 = arith.constant 16 : index
      %swap3A_1604 = tpu.vector_load %arg9[%swap3A_1602, %swap3A_1603] {strides = array<i32>} : memref<5x80xi32, #tpu.memory_space<vmem>>, vector<1x16xi32>,
      %swap3A_1605 = vector.shape_cast %swap3A_1604 : vector<1x16xi32> to vector<16xi32>
      %swap3A_1606 = vector.shape_cast %add3A_1600 : vector<16xi32> to vector<1x16xi32>
      tpu.vector_store %arg9[%swap3A_1602, %swap3A_1603], %swap3A_1606 {strides = array<i32>} : memref<5x80xi32, #tpu.memory_space<vmem>>, vector<1x16xi32>,
      %add3A_1607 = arith.constant 352 : i32
      %add3A_1608 = vector.broadcast %add3A_1607 : i32 to vector<16xi32>
      %add3A_1609 = arith.addi %add3A_1608, %iota3A : vector<16xi32>
      %ge3A_1610 = arith.constant 200 : i32
      %ge3A_1611 = vector.broadcast %ge3A_1610 : i32 to vector<16xi32>
      %ge3A_1612 = arith.cmpi sge, %add3A_1609, %ge3A_1611 : vector<16xi32>
      %jit3A_1613 = arith.constant 200 : i32
      %jit3A_1614 = arith.constant 0 : i32
      %broadcast_in_dim3A_1615 = vector.broadcast %jit3A_1613 : i32 to vector<16xi32>
      %broadcast_in_dim3A_1616 = vector.broadcast %jit3A_1614 : i32 to vector<16xi32>
      %select_n3A_1617 = arith.select %ge3A_1612, %broadcast_in_dim3A_1615, %broadcast_in_dim3A_1616 : vector<16xi1>, vector<16xi32>
      %sub3A_1618 = arith.subi %add3A_1609, %select_n3A_1617 : vector<16xi32>
      %get3A_1619 = arith.constant 4 : i32
      %get3A_1620 = arith.index_cast %get3A_1619 : i32 to index
      %get3A_1621 = arith.constant 32 : index
      %get3A_1622 = tpu.vector_load %arg7[%get3A_1620, %get3A_1621] {strides = array<i32>} : memref<5x80xi32, #tpu.memory_space<vmem>>, vector<1x16xi32>,
      %get3A_1623 = vector.shape_cast %get3A_1622 : vector<1x16xi32> to vector<16xi32>
      %eq3A_1624 = arith.constant 0 : i32
      %eq3A_1625 = vector.broadcast %eq3A_1624 : i32 to vector<16xi32>
      %eq3A_1626 = arith.cmpi eq, %get3A_1623, %eq3A_1625 : vector<16xi32>
      %jit3A_1627 = arith.constant 200 : i32
      %jit3A_1628 = arith.constant 0 : i32
      %broadcast_in_dim3A_1629 = vector.broadcast %jit3A_1627 : i32 to vector<16xi32>
      %broadcast_in_dim3A_1630 = vector.broadcast %jit3A_1628 : i32 to vector<16xi32>
      %select_n3A_1631 = arith.select %eq3A_1626, %broadcast_in_dim3A_1629, %broadcast_in_dim3A_1630 : vector<16xi1>, vector<16xi32>
      %add3A_1632 = arith.addi %sub3A_1618, %select_n3A_1631 : vector<16xi32>
      %swap3A_1633 = arith.constant 4 : i32
      %swap3A_1634 = arith.index_cast %swap3A_1633 : i32 to index
      %swap3A_1635 = arith.constant 32 : index
      %swap3A_1636 = tpu.vector_load %arg9[%swap3A_1634, %swap3A_1635] {strides = array<i32>} : memref<5x80xi32, #tpu.memory_space<vmem>>, vector<1x16xi32>,
      %swap3A_1637 = vector.shape_cast %swap3A_1636 : vector<1x16xi32> to vector<16xi32>
      %swap3A_1638 = vector.shape_cast %add3A_1632 : vector<16xi32> to vector<1x16xi32>
      tpu.vector_store %arg9[%swap3A_1634, %swap3A_1635], %swap3A_1638 {strides = array<i32>} : memref<5x80xi32, #tpu.memory_space<vmem>>, vector<1x16xi32>,
      %add3A_1639 = arith.constant 368 : i32
      %add3A_1640 = vector.broadcast %add3A_1639 : i32 to vector<16xi32>
      %add3A_1641 = arith.addi %add3A_1640, %iota3A : vector<16xi32>
      %ge3A_1642 = arith.constant 200 : i32
      %ge3A_1643 = vector.broadcast %ge3A_1642 : i32 to vector<16xi32>
      %ge3A_1644 = arith.cmpi sge, %add3A_1641, %ge3A_1643 : vector<16xi32>
      %jit3A_1645 = arith.constant 200 : i32
      %jit3A_1646 = arith.constant 0 : i32
      %broadcast_in_dim3A_1647 = vector.broadcast %jit3A_1645 : i32 to vector<16xi32>
      %broadcast_in_dim3A_1648 = vector.broadcast %jit3A_1646 : i32 to vector<16xi32>
      %select_n3A_1649 = arith.select %ge3A_1644, %broadcast_in_dim3A_1647, %broadcast_in_dim3A_1648 : vector<16xi1>, vector<16xi32>
      %sub3A_1650 = arith.subi %add3A_1641, %select_n3A_1649 : vector<16xi32>
      %get3A_1651 = arith.constant 4 : i32
      %get3A_1652 = arith.index_cast %get3A_1651 : i32 to index
      %get3A_1653 = arith.constant 48 : index
      %get3A_1654 = tpu.vector_load %arg7[%get3A_1652, %get3A_1653] {strides = array<i32>} : memref<5x80xi32, #tpu.memory_space<vmem>>, vector<1x16xi32>,
      %get3A_1655 = vector.shape_cast %get3A_1654 : vector<1x16xi32> to vector<16xi32>
      %eq3A_1656 = arith.constant 0 : i32
      %eq3A_1657 = vector.broadcast %eq3A_1656 : i32 to vector<16xi32>
      %eq3A_1658 = arith.cmpi eq, %get3A_1655, %eq3A_1657 : vector<16xi32>
      %jit3A_1659 = arith.constant 200 : i32
      %jit3A_1660 = arith.constant 0 : i32
      %broadcast_in_dim3A_1661 = vector.broadcast %jit3A_1659 : i32 to vector<16xi32>
      %broadcast_in_dim3A_1662 = vector.broadcast %jit3A_1660 : i32 to vector<16xi32>
      %select_n3A_1663 = arith.select %eq3A_1658, %broadcast_in_dim3A_1661, %broadcast_in_dim3A_1662 : vector<16xi1>, vector<16xi32>
      %add3A_1664 = arith.addi %sub3A_1650, %select_n3A_1663 : vector<16xi32>
      %swap3A_1665 = arith.constant 4 : i32
      %swap3A_1666 = arith.index_cast %swap3A_1665 : i32 to index
      %swap3A_1667 = arith.constant 48 : index
      %swap3A_1668 = tpu.vector_load %arg9[%swap3A_1666, %swap3A_1667] {strides = array<i32>} : memref<5x80xi32, #tpu.memory_space<vmem>>, vector<1x16xi32>,
      %swap3A_1669 = vector.shape_cast %swap3A_1668 : vector<1x16xi32> to vector<16xi32>
      %swap3A_1670 = vector.shape_cast %add3A_1664 : vector<16xi32> to vector<1x16xi32>
      tpu.vector_store %arg9[%swap3A_1666, %swap3A_1667], %swap3A_1670 {strides = array<i32>} : memref<5x80xi32, #tpu.memory_space<vmem>>, vector<1x16xi32>,
      %add3A_1671 = arith.constant 384 : i32
      %add3A_1672 = vector.broadcast %add3A_1671 : i32 to vector<16xi32>
      %add3A_1673 = arith.addi %add3A_1672, %iota3A : vector<16xi32>
      %ge3A_1674 = arith.constant 200 : i32
      %ge3A_1675 = vector.broadcast %ge3A_1674 : i32 to vector<16xi32>
      %ge3A_1676 = arith.cmpi sge, %add3A_1673, %ge3A_1675 : vector<16xi32>
      %jit3A_1677 = arith.constant 200 : i32
      %jit3A_1678 = arith.constant 0 : i32
      %broadcast_in_dim3A_1679 = vector.broadcast %jit3A_1677 : i32 to vector<16xi32>
      %broadcast_in_dim3A_1680 = vector.broadcast %jit3A_1678 : i32 to vector<16xi32>
      %select_n3A_1681 = arith.select %ge3A_1676, %broadcast_in_dim3A_1679, %broadcast_in_dim3A_1680 : vector<16xi1>, vector<16xi32>
      %sub3A_1682 = arith.subi %add3A_1673, %select_n3A_1681 : vector<16xi32>
      %get3A_1683 = arith.constant 4 : i32
      %get3A_1684 = arith.index_cast %get3A_1683 : i32 to index
      %get3A_1685 = arith.constant 64 : index
      %get3A_1686 = tpu.vector_load %arg7[%get3A_1684, %get3A_1685] {strides = array<i32>} : memref<5x80xi32, #tpu.memory_space<vmem>>, vector<1x16xi32>,
      %get3A_1687 = vector.shape_cast %get3A_1686 : vector<1x16xi32> to vector<16xi32>
      %eq3A_1688 = arith.constant 0 : i32
      %eq3A_1689 = vector.broadcast %eq3A_1688 : i32 to vector<16xi32>
      %eq3A_1690 = arith.cmpi eq, %get3A_1687, %eq3A_1689 : vector<16xi32>
      %jit3A_1691 = arith.constant 200 : i32
      %jit3A_1692 = arith.constant 0 : i32
      %broadcast_in_dim3A_1693 = vector.broadcast %jit3A_1691 : i32 to vector<16xi32>
      %broadcast_in_dim3A_1694 = vector.broadcast %jit3A_1692 : i32 to vector<16xi32>
      %select_n3A_1695 = arith.select %eq3A_1690, %broadcast_in_dim3A_1693, %broadcast_in_dim3A_1694 : vector<16xi1>, vector<16xi32>
      %add3A_1696 = arith.addi %sub3A_1682, %select_n3A_1695 : vector<16xi32>
      %swap3A_1697 = arith.constant 4 : i32
      %swap3A_1698 = arith.index_cast %swap3A_1697 : i32 to index
      %swap3A_1699 = arith.constant 64 : index
      %swap3A_1700 = tpu.vector_load %arg9[%swap3A_1698, %swap3A_1699] {strides = array<i32>} : memref<5x80xi32, #tpu.memory_space<vmem>>, vector<1x16xi32>,
      %swap3A_1701 = vector.shape_cast %swap3A_1700 : vector<1x16xi32> to vector<16xi32>
      %swap3A_1702 = vector.shape_cast %add3A_1696 : vector<16xi32> to vector<1x16xi32>
      tpu.vector_store %arg9[%swap3A_1698, %swap3A_1699], %swap3A_1702 {strides = array<i32>} : memref<5x80xi32, #tpu.memory_space<vmem>>, vector<1x16xi32>,
      %dma_start3A_1703 = arith.constant 0 : i32
      %dma_start3A_1704 = arith.constant 0 : i32
      %dma_start3A_1705 = arith.constant 0 : i32
      %dma_start3A_1706 = tpu.memref_slice %arg11[%dma_start3A_1704, %dma_start3A_1705] : memref<400x64xf32, #tpu.memory_space<vmem>> -> memref<80x64xf32, #tpu.memory_space<vmem>>
      %dma_start3A_1707 = arith.constant 0 : i32
      %dma_start3A_1708 = tpu.memref_slice %arg7[%dma_start3A_1703, %dma_start3A_1707] : memref<5x80xi32, #tpu.memory_space<vmem>> -> memref<1x80xi32, #tpu.memory_space<vmem>>
      %dma_start3A_1709 = tpu.memref_squeeze %dma_start3A_1708 : memref<1x80xi32, #tpu.memory_space<vmem>> -> memref<80xi32, #tpu.memory_space<vmem>>
      %dma_start3A_1710 = arith.constant 0 : i32
      %dma_start3A_1711 = arith.constant 0 : i32
      %dma_start3A_1712 = tpu.memref_slice %arg2[%dma_start3A_1710, %dma_start3A_1711] : memref<1000000x64xf32, #tpu.memory_space<hbm>> -> memref<1000000x64xf32, #tpu.memory_space<hbm>>
      tpu.enqueue_indirect_dma source(%dma_start3A_1712 : memref<1000000x64xf32, #tpu.memory_space<hbm>>) target(%dma_start3A_1706 : memref<80x64xf32, #tpu.memory_space<vmem>>) offsets(%dma_start3A_1709 : memref<80xi32, #tpu.memory_space<vmem>>) semaphore(%arg18 : memref<!tpu.dma_semaphore, #tpu.memory_space<semaphore_mem>>)
      %dma_start3A_1713 = arith.constant 1 : i32
      %dma_start3A_1714 = arith.constant 80 : i32
      %dma_start3A_1715 = arith.constant 0 : i32
      %dma_start3A_1716 = tpu.memref_slice %arg11[%dma_start3A_1714, %dma_start3A_1715] : memref<400x64xf32, #tpu.memory_space<vmem>> -> memref<80x64xf32, #tpu.memory_space<vmem>>
      %dma_start3A_1717 = arith.constant 0 : i32
      %dma_start3A_1718 = tpu.memref_slice %arg7[%dma_start3A_1713, %dma_start3A_1717] : memref<5x80xi32, #tpu.memory_space<vmem>> -> memref<1x80xi32, #tpu.memory_space<vmem>>
      %dma_start3A_1719 = tpu.memref_squeeze %dma_start3A_1718 : memref<1x80xi32, #tpu.memory_space<vmem>> -> memref<80xi32, #tpu.memory_space<vmem>>
      %dma_start3A_1720 = arith.constant 0 : i32
      %dma_start3A_1721 = arith.constant 0 : i32
      %dma_start3A_1722 = tpu.memref_slice %arg2[%dma_start3A_1720, %dma_start3A_1721] : memref<1000000x64xf32, #tpu.memory_space<hbm>> -> memref<1000000x64xf32, #tpu.memory_space<hbm>>
      tpu.enqueue_indirect_dma source(%dma_start3A_1722 : memref<1000000x64xf32, #tpu.memory_space<hbm>>) target(%dma_start3A_1716 : memref<80x64xf32, #tpu.memory_space<vmem>>) offsets(%dma_start3A_1719 : memref<80xi32, #tpu.memory_space<vmem>>) semaphore(%arg18 : memref<!tpu.dma_semaphore, #tpu.memory_space<semaphore_mem>>)
      %dma_start3A_1723 = arith.constant 2 : i32
      %dma_start3A_1724 = arith.constant 160 : i32
      %dma_start3A_1725 = arith.constant 0 : i32
      %dma_start3A_1726 = tpu.memref_slice %arg11[%dma_start3A_1724, %dma_start3A_1725] : memref<400x64xf32, #tpu.memory_space<vmem>> -> memref<80x64xf32, #tpu.memory_space<vmem>>
      %dma_start3A_1727 = arith.constant 0 : i32
      %dma_start3A_1728 = tpu.memref_slice %arg7[%dma_start3A_1723, %dma_start3A_1727] : memref<5x80xi32, #tpu.memory_space<vmem>> -> memref<1x80xi32, #tpu.memory_space<vmem>>
      %dma_start3A_1729 = tpu.memref_squeeze %dma_start3A_1728 : memref<1x80xi32, #tpu.memory_space<vmem>> -> memref<80xi32, #tpu.memory_space<vmem>>
      %dma_start3A_1730 = arith.constant 0 : i32
      %dma_start3A_1731 = arith.constant 0 : i32
      %dma_start3A_1732 = tpu.memref_slice %arg2[%dma_start3A_1730, %dma_start3A_1731] : memref<1000000x64xf32, #tpu.memory_space<hbm>> -> memref<1000000x64xf32, #tpu.memory_space<hbm>>
      tpu.enqueue_indirect_dma source(%dma_start3A_1732 : memref<1000000x64xf32, #tpu.memory_space<hbm>>) target(%dma_start3A_1726 : memref<80x64xf32, #tpu.memory_space<vmem>>) offsets(%dma_start3A_1729 : memref<80xi32, #tpu.memory_space<vmem>>) semaphore(%arg18 : memref<!tpu.dma_semaphore, #tpu.memory_space<semaphore_mem>>)
      %dma_start3A_1733 = arith.constant 3 : i32
      %dma_start3A_1734 = arith.constant 240 : i32
      %dma_start3A_1735 = arith.constant 0 : i32
      %dma_start3A_1736 = tpu.memref_slice %arg11[%dma_start3A_1734, %dma_start3A_1735] : memref<400x64xf32, #tpu.memory_space<vmem>> -> memref<80x64xf32, #tpu.memory_space<vmem>>
      %dma_start3A_1737 = arith.constant 0 : i32
      %dma_start3A_1738 = tpu.memref_slice %arg7[%dma_start3A_1733, %dma_start3A_1737] : memref<5x80xi32, #tpu.memory_space<vmem>> -> memref<1x80xi32, #tpu.memory_space<vmem>>
      %dma_start3A_1739 = tpu.memref_squeeze %dma_start3A_1738 : memref<1x80xi32, #tpu.memory_space<vmem>> -> memref<80xi32, #tpu.memory_space<vmem>>
      %dma_start3A_1740 = arith.constant 0 : i32
      %dma_start3A_1741 = arith.constant 0 : i32
      %dma_start3A_1742 = tpu.memref_slice %arg2[%dma_start3A_1740, %dma_start3A_1741] : memref<1000000x64xf32, #tpu.memory_space<hbm>> -> memref<1000000x64xf32, #tpu.memory_space<hbm>>
      tpu.enqueue_indirect_dma source(%dma_start3A_1742 : memref<1000000x64xf32, #tpu.memory_space<hbm>>) target(%dma_start3A_1736 : memref<80x64xf32, #tpu.memory_space<vmem>>) offsets(%dma_start3A_1739 : memref<80xi32, #tpu.memory_space<vmem>>) semaphore(%arg18 : memref<!tpu.dma_semaphore, #tpu.memory_space<semaphore_mem>>)
      %dma_start3A_1743 = arith.constant 4 : i32
      %dma_start3A_1744 = arith.constant 320 : i32
      %dma_start3A_1745 = arith.constant 0 : i32
      %dma_start3A_1746 = tpu.memref_slice %arg11[%dma_start3A_1744, %dma_start3A_1745] : memref<400x64xf32, #tpu.memory_space<vmem>> -> memref<80x64xf32, #tpu.memory_space<vmem>>
      %dma_start3A_1747 = arith.constant 0 : i32
      %dma_start3A_1748 = tpu.memref_slice %arg7[%dma_start3A_1743, %dma_start3A_1747] : memref<5x80xi32, #tpu.memory_space<vmem>> -> memref<1x80xi32, #tpu.memory_space<vmem>>
      %dma_start3A_1749 = tpu.memref_squeeze %dma_start3A_1748 : memref<1x80xi32, #tpu.memory_space<vmem>> -> memref<80xi32, #tpu.memory_space<vmem>>
      %dma_start3A_1750 = arith.constant 0 : i32
      %dma_start3A_1751 = arith.constant 0 : i32
      %dma_start3A_1752 = tpu.memref_slice %arg2[%dma_start3A_1750, %dma_start3A_1751] : memref<1000000x64xf32, #tpu.memory_space<hbm>> -> memref<1000000x64xf32, #tpu.memory_space<hbm>>
      tpu.enqueue_indirect_dma source(%dma_start3A_1752 : memref<1000000x64xf32, #tpu.memory_space<hbm>>) target(%dma_start3A_1746 : memref<80x64xf32, #tpu.memory_space<vmem>>) offsets(%dma_start3A_1749 : memref<80xi32, #tpu.memory_space<vmem>>) semaphore(%arg18 : memref<!tpu.dma_semaphore, #tpu.memory_space<semaphore_mem>>)
      %add3A_1753 = arith.constant 0 : i32
      %add3A_1754 = arith.addi %add3A_37, %add3A_1753 : i32
      %mul3A_1755 = arith.constant 400 : i32
      %mul3A_1756 = arith.muli %add3A_1754, %mul3A_1755 : i32
      %add3A_1757 = arith.addi %mul3A_2, %mul3A_1756 : i32
      %dma_wait3A_1758 = arith.constant 0 : i32
      %dma_wait3A_1759 = arith.constant 0 : i32
      %dma_wait3A_1760 = arith.constant 0 : i32
      %dma_wait3A_1761 = tpu.memref_slice %arg10[%dma_wait3A_1759, %dma_wait3A_1760] : memref<400x64xf32, #tpu.memory_space<vmem>> -> memref<80x64xf32, #tpu.memory_space<vmem>>
      %dma_wait3A_1762 = arith.constant 0 : i32
      %dma_wait3A_1763 = tpu.memref_slice %arg6[%dma_wait3A_1758, %dma_wait3A_1762] : memref<5x80xi32, #tpu.memory_space<vmem>> -> memref<1x80xi32, #tpu.memory_space<vmem>>
      %dma_wait3A_1764 = tpu.memref_squeeze %dma_wait3A_1763 : memref<1x80xi32, #tpu.memory_space<vmem>> -> memref<80xi32, #tpu.memory_space<vmem>>
      %dma_wait3A_1765 = arith.constant 0 : i32
      %dma_wait3A_1766 = arith.constant 0 : i32
      %dma_wait3A_1767 = tpu.memref_slice %arg2[%dma_wait3A_1765, %dma_wait3A_1766] : memref<1000000x64xf32, #tpu.memory_space<hbm>> -> memref<1000000x64xf32, #tpu.memory_space<hbm>>
      tpu.wait_indirect_dma semaphore(%arg17 : memref<!tpu.dma_semaphore, #tpu.memory_space<semaphore_mem>>) src(%dma_wait3A_1767 : memref<1000000x64xf32, #tpu.memory_space<hbm>>) dst(%dma_wait3A_1761 : memref<80x64xf32, #tpu.memory_space<vmem>>)
      %dma_wait3A_1768 = arith.constant 1 : i32
      %dma_wait3A_1769 = arith.constant 80 : i32
      %dma_wait3A_1770 = arith.constant 0 : i32
      %dma_wait3A_1771 = tpu.memref_slice %arg10[%dma_wait3A_1769, %dma_wait3A_1770] : memref<400x64xf32, #tpu.memory_space<vmem>> -> memref<80x64xf32, #tpu.memory_space<vmem>>
      %dma_wait3A_1772 = arith.constant 0 : i32
      %dma_wait3A_1773 = tpu.memref_slice %arg6[%dma_wait3A_1768, %dma_wait3A_1772] : memref<5x80xi32, #tpu.memory_space<vmem>> -> memref<1x80xi32, #tpu.memory_space<vmem>>
      %dma_wait3A_1774 = tpu.memref_squeeze %dma_wait3A_1773 : memref<1x80xi32, #tpu.memory_space<vmem>> -> memref<80xi32, #tpu.memory_space<vmem>>
      %dma_wait3A_1775 = arith.constant 0 : i32
      %dma_wait3A_1776 = arith.constant 0 : i32
      %dma_wait3A_1777 = tpu.memref_slice %arg2[%dma_wait3A_1775, %dma_wait3A_1776] : memref<1000000x64xf32, #tpu.memory_space<hbm>> -> memref<1000000x64xf32, #tpu.memory_space<hbm>>
      tpu.wait_indirect_dma semaphore(%arg17 : memref<!tpu.dma_semaphore, #tpu.memory_space<semaphore_mem>>) src(%dma_wait3A_1777 : memref<1000000x64xf32, #tpu.memory_space<hbm>>) dst(%dma_wait3A_1771 : memref<80x64xf32, #tpu.memory_space<vmem>>)
      %dma_wait3A_1778 = arith.constant 2 : i32
      %dma_wait3A_1779 = arith.constant 160 : i32
      %dma_wait3A_1780 = arith.constant 0 : i32
      %dma_wait3A_1781 = tpu.memref_slice %arg10[%dma_wait3A_1779, %dma_wait3A_1780] : memref<400x64xf32, #tpu.memory_space<vmem>> -> memref<80x64xf32, #tpu.memory_space<vmem>>
      %dma_wait3A_1782 = arith.constant 0 : i32
      %dma_wait3A_1783 = tpu.memref_slice %arg6[%dma_wait3A_1778, %dma_wait3A_1782] : memref<5x80xi32, #tpu.memory_space<vmem>> -> memref<1x80xi32, #tpu.memory_space<vmem>>
      %dma_wait3A_1784 = tpu.memref_squeeze %dma_wait3A_1783 : memref<1x80xi32, #tpu.memory_space<vmem>> -> memref<80xi32, #tpu.memory_space<vmem>>
      %dma_wait3A_1785 = arith.constant 0 : i32
      %dma_wait3A_1786 = arith.constant 0 : i32
      %dma_wait3A_1787 = tpu.memref_slice %arg2[%dma_wait3A_1785, %dma_wait3A_1786] : memref<1000000x64xf32, #tpu.memory_space<hbm>> -> memref<1000000x64xf32, #tpu.memory_space<hbm>>
      tpu.wait_indirect_dma semaphore(%arg17 : memref<!tpu.dma_semaphore, #tpu.memory_space<semaphore_mem>>) src(%dma_wait3A_1787 : memref<1000000x64xf32, #tpu.memory_space<hbm>>) dst(%dma_wait3A_1781 : memref<80x64xf32, #tpu.memory_space<vmem>>)
      %dma_wait3A_1788 = arith.constant 3 : i32
      %dma_wait3A_1789 = arith.constant 240 : i32
      %dma_wait3A_1790 = arith.constant 0 : i32
      %dma_wait3A_1791 = tpu.memref_slice %arg10[%dma_wait3A_1789, %dma_wait3A_1790] : memref<400x64xf32, #tpu.memory_space<vmem>> -> memref<80x64xf32, #tpu.memory_space<vmem>>
      %dma_wait3A_1792 = arith.constant 0 : i32
      %dma_wait3A_1793 = tpu.memref_slice %arg6[%dma_wait3A_1788, %dma_wait3A_1792] : memref<5x80xi32, #tpu.memory_space<vmem>> -> memref<1x80xi32, #tpu.memory_space<vmem>>
      %dma_wait3A_1794 = tpu.memref_squeeze %dma_wait3A_1793 : memref<1x80xi32, #tpu.memory_space<vmem>> -> memref<80xi32, #tpu.memory_space<vmem>>
      %dma_wait3A_1795 = arith.constant 0 : i32
      %dma_wait3A_1796 = arith.constant 0 : i32
      %dma_wait3A_1797 = tpu.memref_slice %arg2[%dma_wait3A_1795, %dma_wait3A_1796] : memref<1000000x64xf32, #tpu.memory_space<hbm>> -> memref<1000000x64xf32, #tpu.memory_space<hbm>>
      tpu.wait_indirect_dma semaphore(%arg17 : memref<!tpu.dma_semaphore, #tpu.memory_space<semaphore_mem>>) src(%dma_wait3A_1797 : memref<1000000x64xf32, #tpu.memory_space<hbm>>) dst(%dma_wait3A_1791 : memref<80x64xf32, #tpu.memory_space<vmem>>)
      %dma_wait3A_1798 = arith.constant 4 : i32
      %dma_wait3A_1799 = arith.constant 320 : i32
      %dma_wait3A_1800 = arith.constant 0 : i32
      %dma_wait3A_1801 = tpu.memref_slice %arg10[%dma_wait3A_1799, %dma_wait3A_1800] : memref<400x64xf32, #tpu.memory_space<vmem>> -> memref<80x64xf32, #tpu.memory_space<vmem>>
      %dma_wait3A_1802 = arith.constant 0 : i32
      %dma_wait3A_1803 = tpu.memref_slice %arg6[%dma_wait3A_1798, %dma_wait3A_1802] : memref<5x80xi32, #tpu.memory_space<vmem>> -> memref<1x80xi32, #tpu.memory_space<vmem>>
      %dma_wait3A_1804 = tpu.memref_squeeze %dma_wait3A_1803 : memref<1x80xi32, #tpu.memory_space<vmem>> -> memref<80xi32, #tpu.memory_space<vmem>>
      %dma_wait3A_1805 = arith.constant 0 : i32
      %dma_wait3A_1806 = arith.constant 0 : i32
      %dma_wait3A_1807 = tpu.memref_slice %arg2[%dma_wait3A_1805, %dma_wait3A_1806] : memref<1000000x64xf32, #tpu.memory_space<hbm>> -> memref<1000000x64xf32, #tpu.memory_space<hbm>>
      tpu.wait_indirect_dma semaphore(%arg17 : memref<!tpu.dma_semaphore, #tpu.memory_space<semaphore_mem>>) src(%dma_wait3A_1807 : memref<1000000x64xf32, #tpu.memory_space<hbm>>) dst(%dma_wait3A_1801 : memref<80x64xf32, #tpu.memory_space<vmem>>)
      %add3A_1808 = arith.constant 0 : i32
      %add3A_1809 = arith.addi %add3A_37, %add3A_1808 : i32
      %add3A_1810 = arith.constant 2 : i32
      %add3A_1811 = arith.addi %add3A_1809, %add3A_1810 : i32
      %lt3A = arith.constant 64 : i32
      %lt3A_1812 = arith.cmpi slt, %add3A_1811, %lt3A : i32
      %convert_element_type3A_1813 = arith.extui %lt3A_1812 : i1 to i32
      %cond3A_1814 = arith.constant 0 : i32
      %cond3A_1815 = arith.cmpi ne, %convert_element_type3A_1813, %cond3A_1814 : i32
      scf.if %cond3A_1815 {
        %mul3A_1888 = arith.constant 5 : i32
        %mul3A_1889 = arith.muli %add3A_1811, %mul3A_1888 : i32
        %add3A_1890 = arith.addi %mul3A_4, %mul3A_1889 : i32
        %dma_start3A_1891 = arith.constant 0 : i32
        %dma_start3A_1892 = tpu.memref_slice %arg3[%add3A_1890, %dma_start3A_1891] : memref<10240x80xi32, #tpu.memory_space<hbm>> -> memref<5x80xi32, #tpu.memory_space<hbm>>
        %dma_start3A_1893 = arith.constant 0 : i32
        %dma_start3A_1894 = tpu.memref_slice %arg3[%add3A_1890, %dma_start3A_1893] : memref<10240x80xi32, #tpu.memory_space<hbm>> -> memref<5x80xi32, #tpu.memory_space<hbm>>
        tpu.enqueue_dma source(%dma_start3A_1894 : memref<5x80xi32, #tpu.memory_space<hbm>>) target(%arg6 : memref<5x80xi32, #tpu.memory_space<vmem>>) target_semaphore(%arg15 : memref<!tpu.dma_semaphore, #tpu.memory_space<semaphore_mem>>)
      } else {
      }
      %dma_start3A_1816 = arith.constant 0 : i32
      %dma_start3A_1817 = tpu.memref_slice %arg5[%add3A_1757, %dma_start3A_1816] : memref<819200x64xf32, #tpu.memory_space<hbm>> -> memref<400x64xf32, #tpu.memory_space<hbm>>
      %dma_start3A_1818 = arith.constant 0 : i32
      %dma_start3A_1819 = tpu.memref_slice %arg5[%add3A_1757, %dma_start3A_1818] : memref<819200x64xf32, #tpu.memory_space<hbm>> -> memref<400x64xf32, #tpu.memory_space<hbm>>
      tpu.enqueue_dma source(%arg10 : memref<400x64xf32, #tpu.memory_space<vmem>>) target(%dma_start3A_1819 : memref<400x64xf32, #tpu.memory_space<hbm>>) target_semaphore(%arg21 : memref<!tpu.dma_semaphore, #tpu.memory_space<semaphore_mem>>)
      %add3A_1820 = arith.constant 1 : i32
      %add3A_1821 = arith.addi %add3A_37, %add3A_1820 : i32
      %mul3A_1822 = arith.constant 400 : i32
      %mul3A_1823 = arith.muli %add3A_1821, %mul3A_1822 : i32
      %add3A_1824 = arith.addi %mul3A_2, %mul3A_1823 : i32
      %dma_wait3A_1825 = arith.constant 0 : i32
      %dma_wait3A_1826 = arith.constant 0 : i32
      %dma_wait3A_1827 = arith.constant 0 : i32
      %dma_wait3A_1828 = tpu.memref_slice %arg11[%dma_wait3A_1826, %dma_wait3A_1827] : memref<400x64xf32, #tpu.memory_space<vmem>> -> memref<80x64xf32, #tpu.memory_space<vmem>>
      %dma_wait3A_1829 = arith.constant 0 : i32
      %dma_wait3A_1830 = tpu.memref_slice %arg7[%dma_wait3A_1825, %dma_wait3A_1829] : memref<5x80xi32, #tpu.memory_space<vmem>> -> memref<1x80xi32, #tpu.memory_space<vmem>>
      %dma_wait3A_1831 = tpu.memref_squeeze %dma_wait3A_1830 : memref<1x80xi32, #tpu.memory_space<vmem>> -> memref<80xi32, #tpu.memory_space<vmem>>
      %dma_wait3A_1832 = arith.constant 0 : i32
      %dma_wait3A_1833 = arith.constant 0 : i32
      %dma_wait3A_1834 = tpu.memref_slice %arg2[%dma_wait3A_1832, %dma_wait3A_1833] : memref<1000000x64xf32, #tpu.memory_space<hbm>> -> memref<1000000x64xf32, #tpu.memory_space<hbm>>
      tpu.wait_indirect_dma semaphore(%arg18 : memref<!tpu.dma_semaphore, #tpu.memory_space<semaphore_mem>>) src(%dma_wait3A_1834 : memref<1000000x64xf32, #tpu.memory_space<hbm>>) dst(%dma_wait3A_1828 : memref<80x64xf32, #tpu.memory_space<vmem>>)
      %dma_wait3A_1835 = arith.constant 1 : i32
      %dma_wait3A_1836 = arith.constant 80 : i32
      %dma_wait3A_1837 = arith.constant 0 : i32
      %dma_wait3A_1838 = tpu.memref_slice %arg11[%dma_wait3A_1836, %dma_wait3A_1837] : memref<400x64xf32, #tpu.memory_space<vmem>> -> memref<80x64xf32, #tpu.memory_space<vmem>>
      %dma_wait3A_1839 = arith.constant 0 : i32
      %dma_wait3A_1840 = tpu.memref_slice %arg7[%dma_wait3A_1835, %dma_wait3A_1839] : memref<5x80xi32, #tpu.memory_space<vmem>> -> memref<1x80xi32, #tpu.memory_space<vmem>>
      %dma_wait3A_1841 = tpu.memref_squeeze %dma_wait3A_1840 : memref<1x80xi32, #tpu.memory_space<vmem>> -> memref<80xi32, #tpu.memory_space<vmem>>
      %dma_wait3A_1842 = arith.constant 0 : i32
      %dma_wait3A_1843 = arith.constant 0 : i32
      %dma_wait3A_1844 = tpu.memref_slice %arg2[%dma_wait3A_1842, %dma_wait3A_1843] : memref<1000000x64xf32, #tpu.memory_space<hbm>> -> memref<1000000x64xf32, #tpu.memory_space<hbm>>
      tpu.wait_indirect_dma semaphore(%arg18 : memref<!tpu.dma_semaphore, #tpu.memory_space<semaphore_mem>>) src(%dma_wait3A_1844 : memref<1000000x64xf32, #tpu.memory_space<hbm>>) dst(%dma_wait3A_1838 : memref<80x64xf32, #tpu.memory_space<vmem>>)
      %dma_wait3A_1845 = arith.constant 2 : i32
      %dma_wait3A_1846 = arith.constant 160 : i32
      %dma_wait3A_1847 = arith.constant 0 : i32
      %dma_wait3A_1848 = tpu.memref_slice %arg11[%dma_wait3A_1846, %dma_wait3A_1847] : memref<400x64xf32, #tpu.memory_space<vmem>> -> memref<80x64xf32, #tpu.memory_space<vmem>>
      %dma_wait3A_1849 = arith.constant 0 : i32
      %dma_wait3A_1850 = tpu.memref_slice %arg7[%dma_wait3A_1845, %dma_wait3A_1849] : memref<5x80xi32, #tpu.memory_space<vmem>> -> memref<1x80xi32, #tpu.memory_space<vmem>>
      %dma_wait3A_1851 = tpu.memref_squeeze %dma_wait3A_1850 : memref<1x80xi32, #tpu.memory_space<vmem>> -> memref<80xi32, #tpu.memory_space<vmem>>
      %dma_wait3A_1852 = arith.constant 0 : i32
      %dma_wait3A_1853 = arith.constant 0 : i32
      %dma_wait3A_1854 = tpu.memref_slice %arg2[%dma_wait3A_1852, %dma_wait3A_1853] : memref<1000000x64xf32, #tpu.memory_space<hbm>> -> memref<1000000x64xf32, #tpu.memory_space<hbm>>
      tpu.wait_indirect_dma semaphore(%arg18 : memref<!tpu.dma_semaphore, #tpu.memory_space<semaphore_mem>>) src(%dma_wait3A_1854 : memref<1000000x64xf32, #tpu.memory_space<hbm>>) dst(%dma_wait3A_1848 : memref<80x64xf32, #tpu.memory_space<vmem>>)
      %dma_wait3A_1855 = arith.constant 3 : i32
      %dma_wait3A_1856 = arith.constant 240 : i32
      %dma_wait3A_1857 = arith.constant 0 : i32
      %dma_wait3A_1858 = tpu.memref_slice %arg11[%dma_wait3A_1856, %dma_wait3A_1857] : memref<400x64xf32, #tpu.memory_space<vmem>> -> memref<80x64xf32, #tpu.memory_space<vmem>>
      %dma_wait3A_1859 = arith.constant 0 : i32
      %dma_wait3A_1860 = tpu.memref_slice %arg7[%dma_wait3A_1855, %dma_wait3A_1859] : memref<5x80xi32, #tpu.memory_space<vmem>> -> memref<1x80xi32, #tpu.memory_space<vmem>>
      %dma_wait3A_1861 = tpu.memref_squeeze %dma_wait3A_1860 : memref<1x80xi32, #tpu.memory_space<vmem>> -> memref<80xi32, #tpu.memory_space<vmem>>
      %dma_wait3A_1862 = arith.constant 0 : i32
      %dma_wait3A_1863 = arith.constant 0 : i32
      %dma_wait3A_1864 = tpu.memref_slice %arg2[%dma_wait3A_1862, %dma_wait3A_1863] : memref<1000000x64xf32, #tpu.memory_space<hbm>> -> memref<1000000x64xf32, #tpu.memory_space<hbm>>
      tpu.wait_indirect_dma semaphore(%arg18 : memref<!tpu.dma_semaphore, #tpu.memory_space<semaphore_mem>>) src(%dma_wait3A_1864 : memref<1000000x64xf32, #tpu.memory_space<hbm>>) dst(%dma_wait3A_1858 : memref<80x64xf32, #tpu.memory_space<vmem>>)
      %dma_wait3A_1865 = arith.constant 4 : i32
      %dma_wait3A_1866 = arith.constant 320 : i32
      %dma_wait3A_1867 = arith.constant 0 : i32
      %dma_wait3A_1868 = tpu.memref_slice %arg11[%dma_wait3A_1866, %dma_wait3A_1867] : memref<400x64xf32, #tpu.memory_space<vmem>> -> memref<80x64xf32, #tpu.memory_space<vmem>>
      %dma_wait3A_1869 = arith.constant 0 : i32
      %dma_wait3A_1870 = tpu.memref_slice %arg7[%dma_wait3A_1865, %dma_wait3A_1869] : memref<5x80xi32, #tpu.memory_space<vmem>> -> memref<1x80xi32, #tpu.memory_space<vmem>>
      %dma_wait3A_1871 = tpu.memref_squeeze %dma_wait3A_1870 : memref<1x80xi32, #tpu.memory_space<vmem>> -> memref<80xi32, #tpu.memory_space<vmem>>
      %dma_wait3A_1872 = arith.constant 0 : i32
      %dma_wait3A_1873 = arith.constant 0 : i32
      %dma_wait3A_1874 = tpu.memref_slice %arg2[%dma_wait3A_1872, %dma_wait3A_1873] : memref<1000000x64xf32, #tpu.memory_space<hbm>> -> memref<1000000x64xf32, #tpu.memory_space<hbm>>
      tpu.wait_indirect_dma semaphore(%arg18 : memref<!tpu.dma_semaphore, #tpu.memory_space<semaphore_mem>>) src(%dma_wait3A_1874 : memref<1000000x64xf32, #tpu.memory_space<hbm>>) dst(%dma_wait3A_1868 : memref<80x64xf32, #tpu.memory_space<vmem>>)
      %add3A_1875 = arith.constant 1 : i32
      %add3A_1876 = arith.addi %add3A_37, %add3A_1875 : i32
      %add3A_1877 = arith.constant 2 : i32
      %add3A_1878 = arith.addi %add3A_1876, %add3A_1877 : i32
      %lt3A_1879 = arith.constant 64 : i32
      %lt3A_1880 = arith.cmpi slt, %add3A_1878, %lt3A_1879 : i32
      %convert_element_type3A_1881 = arith.extui %lt3A_1880 : i1 to i32
      %cond3A_1882 = arith.constant 0 : i32
      %cond3A_1883 = arith.cmpi ne, %convert_element_type3A_1881, %cond3A_1882 : i32
      scf.if %cond3A_1883 {
        %mul3A_1888 = arith.constant 5 : i32
        %mul3A_1889 = arith.muli %add3A_1878, %mul3A_1888 : i32
        %add3A_1890 = arith.addi %mul3A_4, %mul3A_1889 : i32
        %dma_start3A_1891 = arith.constant 0 : i32
        %dma_start3A_1892 = tpu.memref_slice %arg3[%add3A_1890, %dma_start3A_1891] : memref<10240x80xi32, #tpu.memory_space<hbm>> -> memref<5x80xi32, #tpu.memory_space<hbm>>
        %dma_start3A_1893 = arith.constant 0 : i32
        %dma_start3A_1894 = tpu.memref_slice %arg3[%add3A_1890, %dma_start3A_1893] : memref<10240x80xi32, #tpu.memory_space<hbm>> -> memref<5x80xi32, #tpu.memory_space<hbm>>
        tpu.enqueue_dma source(%dma_start3A_1894 : memref<5x80xi32, #tpu.memory_space<hbm>>) target(%arg7 : memref<5x80xi32, #tpu.memory_space<vmem>>) target_semaphore(%arg16 : memref<!tpu.dma_semaphore, #tpu.memory_space<semaphore_mem>>)
      } else {
      }
      %dma_start3A_1884 = arith.constant 0 : i32
      %dma_start3A_1885 = tpu.memref_slice %arg5[%add3A_1824, %dma_start3A_1884] : memref<819200x64xf32, #tpu.memory_space<hbm>> -> memref<400x64xf32, #tpu.memory_space<hbm>>
      %dma_start3A_1886 = arith.constant 0 : i32
      %dma_start3A_1887 = tpu.memref_slice %arg5[%add3A_1824, %dma_start3A_1886] : memref<819200x64xf32, #tpu.memory_space<hbm>> -> memref<400x64xf32, #tpu.memory_space<hbm>>
      tpu.enqueue_dma source(%arg11 : memref<400x64xf32, #tpu.memory_space<vmem>>) target(%dma_start3A_1887 : memref<400x64xf32, #tpu.memory_space<hbm>>) target_semaphore(%arg22 : memref<!tpu.dma_semaphore, #tpu.memory_space<semaphore_mem>>)
    }
    %scan3A_21 = arith.constant 32 : i32
    %dma_wait3A = arith.constant 0 : i32
    %dma_wait3A_22 = arith.constant 0 : i32
    %dma_wait3A_23 = tpu.memref_slice %arg5[%dma_wait3A, %dma_wait3A_22] : memref<819200x64xf32, #tpu.memory_space<hbm>> -> memref<400x64xf32, #tpu.memory_space<hbm>>
    %dma_wait3A_24 = arith.constant 0 : i32
    %dma_wait3A_25 = arith.constant 0 : i32
    %dma_wait3A_26 = tpu.memref_slice %arg5[%dma_wait3A_24, %dma_wait3A_25] : memref<819200x64xf32, #tpu.memory_space<hbm>> -> memref<400x64xf32, #tpu.memory_space<hbm>>
    tpu.wait_dma2 semaphore(%arg21 : memref<!tpu.dma_semaphore, #tpu.memory_space<semaphore_mem>>) src(%arg10 : memref<400x64xf32, #tpu.memory_space<vmem>>) dst(%dma_wait3A_26 : memref<400x64xf32, #tpu.memory_space<hbm>>)
    %dma_wait3A_27 = arith.constant 0 : i32
    %dma_wait3A_28 = arith.constant 0 : i32
    %dma_wait3A_29 = tpu.memref_slice %arg5[%dma_wait3A_27, %dma_wait3A_28] : memref<819200x64xf32, #tpu.memory_space<hbm>> -> memref<400x64xf32, #tpu.memory_space<hbm>>
    %dma_wait3A_30 = arith.constant 0 : i32
    %dma_wait3A_31 = arith.constant 0 : i32
    %dma_wait3A_32 = tpu.memref_slice %arg5[%dma_wait3A_30, %dma_wait3A_31] : memref<819200x64xf32, #tpu.memory_space<hbm>> -> memref<400x64xf32, #tpu.memory_space<hbm>>
    tpu.wait_dma2 semaphore(%arg22 : memref<!tpu.dma_semaphore, #tpu.memory_space<semaphore_mem>>) src(%arg11 : memref<400x64xf32, #tpu.memory_space<vmem>>) dst(%dma_wait3A_32 : memref<400x64xf32, #tpu.memory_space<hbm>>)
    return
  }
}

</mosaic_0001>

<sc_bundles>
// kernel: kernel.3.cloned.1.call-start
scs
__scs_entry_jumppad:
0x0: {  	(pc) =	sbr.rel $0x88, $3  }
0x1: {  	(tag) =	ssettag $0x0;
	lr =	simm.s32 $0x1  }
0x2: {  	[smem:$0x3F9E] =	sst lr;
	_ =	strace $0xD0000000  }
0x3: {  	_ = 	snop  }
0x4: {  	_ = 	snop  }
0x5: {  	_ = 	snop  }
0x6: {  	_ = 	snop  }
0x7: {  	_ = 	snop  }
__scs_overlays_trampoline_lowered:
0x8: {  	[smem:$0x3FAD] =	sst s0  }
0x9: {  	[smem:$0x3FAE] =	sst s1  }
0xa: {  	[smem:$0x3FAF] =	sst s2  }
0xb: {  	[smem:$0x3FB0] =	sst s3  }
0xc: {  	[smem:$0x3FB1] =	sst s4  }
0xd: {  	[smem:$0x3FB2] =	sst s5  }
0xe: {  	[smem:$0x3FB3] =	sst s6  }
0xf: {  	[smem:$0x3FB4] =	sst s7  }
0x10: {  	[smem:$0x3FB5] =	sst s8  }
0x11: {  	[smem:$0x3FB6] =	sst s9;
	s0 =	simm.s32 @!p0 $0x0  }
0x12: {  	s1 =	sld [smem:$0x3F9C];
	s0 =	simm.s32 @p0 $0x1  }
0x13: {  	[smem:$0x3FB7] =	sst s0;
	s0 =	simm.s32 @!p1 $0x0  }
0x14: {  	s2 =	sld [smem:$0x3F9B];
	s0 =	simm.s32 @p1 $0x1  }
0x15: {  	[smem:$0x3FB8] =	sst s0;
	s0 =	simm.s32 @!p2 $0x0  }
0x16: {  	s3 =	sld [smem:$0x3FDB];
	s0 =	simm.s32 @p2 $0x1  }
0x17: {  	s4 =	simm.s32 $0x1BF5;
	[smem:$0x3FBA] =	sst s0  }
0x18: {  	s0 =	sld [smem:$0x3F9D];
	_ =	swait.ge [sflag:s4], $0x0  }
0x19: {  	s7 =	sld [smem:$0x3F9E]  }
0x1a: {  	s8 =	sadd.s32 $0xFFFFE003, lr  }
0x1b: {  	s9 =	sadd.s32 $0xFFFFFEF7, lr;
	s5 =	simm.s32 $0xFFFFFFFF;
	p2 =	slt.u32 s8, $0xFFFFF086  }
0x1c: {  	p1 =	slt.u32 s9, $0xF7A;
	s5 =	simm.s32 @!p2 $0x0  }
0x1d: {  	s5 =	simm.s32 @p1 $0x1;
	p0 =	seq.s32 s7, s2  }
0x1e: {  	s7 =	smul.u32 @!p0 $0xF7A, s2;
	p2 =	seq.s32 @!p0 s5, $0x0  }
0x1f: {  	s9 =	smul.u32 $0xF7A, s1;
	s8 =	simm.s32 @!p0 $0x1BF5;
	p2 =	por !p2, p0  }
0x20: {  	[sflag:s8] =	ssyncset.s32 @!p0 $0xFFFFF086;
	s6 =	sadd.s32 @!p0 s3, s7;
	s7 =	simm.s32 @!p0 $0x108  }
0x21: {  	s3 =	sadd.s32 s3, s9;
	s6 =	sadd.s32 @!p0 $0x88, s6;
	s7 =	simm.s32 @p2 $0x1082  }
0x22: {  	[simem:s7], [sflag:s8] =	dma.local @!p0 [hbm:s6], $0xF7A  }
0x23: {  	s9 =	sor.u32 $0xD0000000, s2;
	s6 =	simm.s32 $0x108;
	_ =	swait.ge @!p0 [sflag:s8], $0x0  }
0x24: {  	s3 =	sadd.s32 $0x88, s3;
	s6 =	simm.s32 @!p1 $0x1082;
	[sflag:s4] =	ssyncset.s32 $0xFFFFF086  }
0x25: {  	[simem:s6], [sflag:s4] =	dma.local [hbm:s3], $0xF7A  }
0x26: {  	[smem:$0x3F9E] =	sst s1;
	(tag) =	ssettag s2;
	_ =	strace s9  }
0x27: {  	s1 =	sld [smem:$0x3FAE]  }
0x28: {  	s2 =	sld [smem:$0x3FAF]  }
0x29: {  	s4 =	sld [smem:$0x3FB1]  }
0x2a: {  	p0 =	seq.s32 s5, $0x0;
	s5 =	sld [smem:$0x3FB2]  }
0x2b: {  	s6 =	sld [smem:$0x3FB3]  }
0x2c: {  	s7 =	sld [smem:$0x3FB4]  }
0x2d: {  	s3 =	simm.s32 $0x108;
	s8 =	sld [smem:$0x3FB5]  }
0x2e: {  	s3 =	simm.s32 @!p0 $0x1082;
	s9 =	sld [smem:$0x3FB6]  }
0x2f: {  	lr =	sadd.s32 s0, s3;
	s0 =	sld [smem:$0x3FAD]  }
0x30: {  	s3 =	sld [smem:$0x3FB0]  }
0x31: {  	[smem:$0x3FB9] =	sst s10  }
0x32: {  	s10 =	sld [smem:$0x3FB7];
	_ =	sdelay $0x3  }
0x33: {  	p0 =	seq.s32 s10, $0x1;
	s10 =	sld [smem:$0x3FB9];
	_ =	sdelay $0x3  }
0x34: {  	[smem:$0x3FB9] =	sst s10  }
0x35: {  	s10 =	sld [smem:$0x3FB8];
	_ =	sdelay $0x3  }
0x36: {  	p1 =	seq.s32 s10, $0x1;
	s10 =	sld [smem:$0x3FB9];
	_ =	sdelay $0x3  }
0x37: {  	[smem:$0x3FB9] =	sst s10  }
0x38: {  	s10 =	sld [smem:$0x3FBA]  }
0x39: {  	_ = 	snop;
	(pc) =	sbr.ind lr, $3  }
0x3a: {  	_ = 	snop  }
0x3b: {  	_ = 	snop  }
0x3c: {  	p2 =	seq.s32 s10, $0x1;
	s10 =	sld [smem:$0x3FB9]  }
0x3d: {  	_ =	shalt  }
0x3e: {  	_ =	shalt  }
0x3f: {  	_ =	shalt  }
0x40: {  	_ =	shalt  }
0x41: {  	_ =	shalt  }
0x42: {  	_ =	shalt  }
0x43: {  	_ =	shalt  }
0x44: {  	_ =	shalt  }
0x45: {  	_ =	shalt  }
0x46: {  	_ =	shalt  }
0x47: {  	_ =	shalt  }
0x48: {  	_ =	shalt  }
0x49: {  	_ =	shalt  }
0x4a: {  	_ =	shalt  }
0x4b: {  	_ =	shalt  }
0x4c: {  	_ =	shalt  }
0x4d: {  	_ =	shalt  }
0x4e: {  	_ =	shalt  }
0x4f: {  	_ =	shalt  }
0x50: {  	_ =	shalt  }
0x51: {  	_ =	shalt  }
0x52: {  	_ =	shalt  }
0x53: {  	_ =	shalt  }
0x54: {  	_ =	shalt  }
0x55: {  	_ =	shalt  }
0x56: {  	_ =	shalt  }
0x57: {  	_ =	shalt  }
0x58: {  	_ =	shalt  }
0x59: {  	_ =	shalt  }
0x5a: {  	_ =	shalt  }
0x5b: {  	_ =	shalt  }
0x5c: {  	_ =	shalt  }
0x5d: {  	_ =	shalt  }
0x5e: {  	_ =	shalt  }
0x5f: {  	_ =	shalt  }
0x60: {  	_ =	shalt  }
0x61: {  	_ =	shalt  }
0x62: {  	_ =	shalt  }
0x63: {  	_ =	shalt  }
0x64: {  	_ =	shalt  }
0x65: {  	_ =	shalt  }
0x66: {  	_ =	shalt  }
0x67: {  	_ =	shalt  }
0x68: {  	_ =	shalt  }
0x69: {  	_ =	shalt  }
0x6a: {  	_ =	shalt  }
0x6b: {  	_ =	shalt  }
0x6c: {  	_ =	shalt  }
0x6d: {  	_ =	shalt  }
0x6e: {  	_ =	shalt  }
0x6f: {  	_ =	shalt  }
0x70: {  	_ =	shalt  }
0x71: {  	_ =	shalt  }
0x72: {  	_ =	shalt  }
0x73: {  	_ =	shalt  }
0x74: {  	_ =	shalt  }
0x75: {  	_ =	shalt  }
0x76: {  	_ =	shalt  }
0x77: {  	_ =	shalt  }
0x78: {  	_ =	shalt  }
0x79: {  	_ =	shalt  }
0x7a: {  	_ =	shalt  }
0x7b: {  	_ =	shalt  }
0x7c: {  	_ =	shalt  }
0x7d: {  	_ =	shalt  }
0x7e: {  	_ =	shalt  }
0x7f: {  	_ =	shalt  }
0x80: {  	_ =	shalt  }
0x81: {  	_ =	shalt  }
0x82: {  	_ =	shalt  }
0x83: {  	_ =	shalt  }
0x84: {  	_ =	shalt  }
0x85: {  	_ =	shalt  }
0x86: {  	_ =	shalt  }
0x87: {  	_ =	shalt  }
.Lfunc_end0:
.L_simem_size_0:
called_computation.1_lowered:
.L_overlay_start_0:
0x88: {  	s2 =	sld [smem:$0x3FD9]  }
0x89: {  	s3 =	sld [smem:$0x3FFE];
	_ =	sdelay $0x1  }
0x8a: {  	s1 =	srdreg.scid  }
0x8b: {  	s0 =	sand.u32 $0x1, s1  }
0x8c: {  	s17 =	sshll.u32 s0, $0xA;
	s2 =	sadd.s32 s3, s2  }
0x8d: {  	s2 =	sadd.s32 s2, s17  }
0x8e: {  	[smem:$0x3FC5] =	sst s2  }
0x8f: {  	_ = 	snop  }
0x90: {  	s2 =	sld [smem:$0x3FD0];
	(tm) =	ssettm $0x1  }
0x91: {  	s18 =	sld [smem:$0x3FFB];
	_ =	sdelay $0x3  }
0x92: {  	_ =	strace s18  }
0x93: {  	s3 =	sld [smem:$0x3FFC];
	_ =	sdelay $0x3  }
0x94: {  	_ =	strace s3  }
0x95: {  	s3 =	sld [smem:$0x3FFD];
	_ =	sdelay $0x3  }
0x96: {  	_ =	strace s3  }
0x97: {  	_ =	strace $0x8FFFFFFF  }
0x98: {  	s19 =	sld [smem:$0x3FDB];
	_ =	sdelay $0x1  }
0x99: {  	s4 =	simm.s32 $_scs_section_size  }
0x9a: {  	s5 =	simm.s32 $_size__tile_overlayer_lowered;
	s6 =	simm.s32 $_tile_overlayer_lowered  }
0x9b: {  	s22 =	simm.s32 $0x1BFF;
	s21 =	sshll.u32 s6, $0x1;
	s3 =	sadd.s32 s4, s19  }
0x9c: {  	s7 =	simm.s32 $0x0;
	s20 =	sshll.u32 s5, $0x1;
	s5 =	sadd.s32 s21, s3  }
0x9d: {  	[timem:s7], [sflag:s22] =	dma.local [hbm:s5], s20  }
0x9e: {  	_ =	swait.ge [sflag:s22], s20  }
0x9f: {  	s4 =	ssub.s32 $0x0, s20;
	[sflag:s22] =	ssyncset.done $0x0  }
0xa0: {  	[sflag:s22] =	ssyncadd.s32 s4;
	_ =	sdelay $0x1  }
0xa1: {  	s23 =	simm.s32 $0x1B8B  }
0xa2: {  	_ =	swait.ge [sflag:s23], $0x1  }
0xa3: {  	[sflag:s23] =	ssyncset.done $0x0  }
0xa4: {  	s25 =	simm.s32 $0x1B8E;
	s24 =	sld [smem:$0x3FFE];
	[sflag:s23] =	ssyncadd.s32 $0xFFFFFFFF  }
0xa5: {  	s26 =	simm.s32 $execute0_lowered;
	[smem:$0x3FD2] =	sst s25  }
0xa6: {  	s5 =	sshll.u32 s26, $0x1;
	_ =	strace $0x80000046;
	[dreg:$0x1] =	wrdreg $0xFFFFFFFF  }
0xa7: {  	s28 =	simm.s32 $_size_execute0_lowered;
	s3 =	sadd.s32 s3, s5;
	[dreg:$0x0] =	wrdreg $0x0  }
0xa8: {  	s5 =	sshll.u32 s28, $0x1;
	[dreg:$0x2] =	wrdreg s3  }
0xa9: {  	[dreg:$0x3] =	wrdreg s5  }
0xaa: {  	[dreg:$0x4] =	wrdreg $0xC0  }
0xab: {  	_ =	task [dreg:s7], $0x5FFFF  }
0xac: {  	[dreg:$0x1] =	wrdreg $0xFFFFFFFF  }
0xad: {  	[dreg:$0x0] =	wrdreg $0x60  }
0xae: {  	[dreg:$0x2] =	wrdreg s24  }
0xaf: {  	[dreg:$0x3] =	wrdreg s2  }
0xb0: {  	[dreg:$0x4] =	wrdreg $0xCE400  }
0xb1: {  	[dreg:$0x5] =	wrdreg $0x9  }
0xb2: {  	_ =	task.clear_ibuf [dreg:s7], $0x6FFFF;
	_ =	strace $0x90000046  }
0xb3: {  	s29 =	simm.s32 $0x9;
	_ =	strace $0x80000048  }
0xb4: {  	_ =	swait.ge [sflag:s29], $0x1  }
0xb5: {  	[sflag:s29] =	ssyncadd.s32 $0xFFFFFFFF  }
0xb6: {  	_ =	strace $0x90000048  }
0xb7: {  	_ =	sfence  }
0xb8: {  	s30 =	sld [smem:$0x0];
	_ =	sdelay $0x2  }
0xb9: {  	s31 =	sshll.u32 s1, $0xD;
	s1 =	sshrl.u32 s1, $0x2  }
0xba: {  	s3 =	sand.u32 $0x4000, s31;
	s1 =	sadd.s32 s1, s30  }
0xbb: {  	s0 =	sor.u32 s3, s0;
	s1 =	sshll.u32 s1, $0x11  }
0xbc: {  	s0 =	sor.u32 s1, s0  }
0xbd: {  	s0 =	sadd.s32 $0x8F2B, s0  }
0xbe: {  	[sflag:s0] =	ssyncadd.remote.s32 $0x1  }
0xbf: {  	_ =	sfence.sel $0xFFFF  }
0xc0: {  	[dreg:$0x0] =	wrdreg $0xFFFFFFFF;
	(pc) =	sbr.abs _section_cstart, $3  }
0xc1: {  	[dreg:$0x1] =	wrdreg $0xFFFFFFFF  }
0xc2: {  	_ =	task.clear_ibuf [dreg:s7], $0x2FFFF;
	_ =	strace $0x9FFFFFFF  }
0xc3: {  	(tm) =	ssettm $0x7FFFFFFF  }
tec
execute0_lowered:
.L_overlay_start_1:
0x0: {  	(tag) =	ssettag $0x1  }
0x1: {  	v0 =	vlaneseq.u32  }
0x2: {  	s4 =	rddreg [dreg:$0x0];
	v22 =	vimm.s32 $0xCBCAC9C8;
	v23 =	vimm.s32 $0xCFCECDCC;
	v24 =	vimm.s32 $0x188  }
0x3: {  	s0 =	rddreg [dreg:$0x1];
	vm0 =	vcmask $0x704;
	vm10 =	vcmask $0xB08;
	vm1 =	vcmask $0xF0C  }
0x4: {  	s3 =	rddreg [dreg:$0x2];
	vm11 =	vcmask $0x1F10;
	v26 =	vimm.s32 $0xC3C2C1C0;
	v27 =	vimm.s32 $0xC7C6C5C4  }
0x5: {  	s1 =	simm.s32 $0x0;
	s2 =	srdreg.scid;
	s7 =	stileid.u32;
	vm12 =	vcmask $0x1310;
	vm13 =	vcmask $0x1714;
	vm14 =	vcmask $0x1B18  }
0x6: {  	s22 =	simm.s32 $0x1A40;
	vm15 =	vcmask $0x1F1C;
	s23 =	simm.s32 $0xA0;
	s24 =	simm.s32 $0x2E40;
	v1 =	vadd.s32 $0xC8, v0;
	v2 =	vor.u32 $0x10, v0  }
0x7: {  	s25 =	simm.s32 $0xF0;
	s26 =	simm.s32 $0x4240;
	s31 =	simm.s32 $0x140;
	v3 =	vadd.s32 $0xD8, v0;
	v4 =	vor.u32 $0x20, v0;
	v5 =	vadd.s32 $0xE8, v0  }
0x8: {  	s28 =	simm.s32 $0x5;
	v6 =	vor.u32 $0x30, v0;
	v7 =	vadd.s32 $0xF8, v0;
	v8 =	vor.u32 $0x40, v0;
	[smem:$0x7FF] =	sst s1;
	s8 =	sand.u32 $0x1, s2  }
0x9: {  	v9 =	vadd.s32 $0x108, v0;
	v10 =	vor.u32 $0x50, v0;
	v11 =	vadd.s32 $0x118, v0;
	s2 =	sadd.s32 $0xF43000, s4;
	s9 =	sadd.s32 $0xC00, s4;
	s4 =	sadd.s32 $0x19C00, s4  }
0xa: {  	s29 =	simm.s32 $0x6;
	v12 =	vor.u32 $0x60, v0;
	v13 =	vadd.s32 $0x128, v0;
	v14 =	vor.u32 $0x70, v0;
	_ =	strace $0x80000047;
	[dreg:$0xb] =	wrdreg s4  }
0xb: {  	s30 =	simm.s32 $0x0;
	v15 =	vadd.s32 $0x138, v0;
	v16 =	vor.u32 $0x80, v0;
	v17 =	vadd.s32 $0x148, v0;
	s10 =	smul.u32 $0x1900, s7;
	[dreg:$0x5] =	wrdreg s22  }
0xc: {  	s13 =	sshll.u32 s7, $0x1;
	v18 =	vor.u32 $0x90, v0;
	v19 =	vadd.s32 $0x158, v0;
	v20 =	vor.u32 $0xA0, v0;
	s11 =	smul.u32 $0xC800, s7;
	[dreg:$0x6] =	wrdreg s23  }
0xd: {  	v21 =	vadd.s32 $0x168, v0;
	v22 =	vunpack.c.0.s8.s32 v22;
	v23 =	vunpack.c.0.s8.s32 v23;
	s18 =	smul.u32 $0x64000, s7;
	p0 =	sne.s32 s7, $0x0;
	[dreg:$0x7] =	wrdreg s24  }
0xe: {  	v26 =	vunpack.c.0.s8.s32 v26;
	v27 =	vunpack.c.0.s8.s32 v27;
	v28 =	vadd.s32 $0x18, v0;
	s5 =	sor.u32 s8, s13;
	s12 =	smul.u32 $0x6400, s8;
	[dreg:$0x8] =	wrdreg s25  }
0xf: {  	v29 =	vor.u32 $0xE0, v0;
	v30 =	vadd.s32 $0x28, v0;
	v31 =	vor.u32 $0xF0, v0;
	s6 =	ssub.s32 $0x2, s8;
	s13 =	smul.u32 $0xC80, s8;
	[dreg:$0x9] =	wrdreg s26  }
0x10: {  	v32 =	vadd.s32 $0x38, v0;
	v33 =	vor.u32 $0x100, v0;
	v34 =	vadd.s32 $0x48, v0;
	s8 =	smul.u32 $0x32000, s8;
	[dreg:$0xa] =	wrdreg s31;
	s22 =	simm.s32 $0xA640  }
0x11: {  	v35 =	vor.u32 $0x110, v0;
	v36 =	vadd.s32 $0x58, v0;
	v37 =	vor.u32 $0x120, v0;
	s23 =	simm.s32 $0x2D0;
	s24 =	simm.s32 $0xBA40;
	s25 =	simm.s32 $0x3  }
0x12: {  	v38 =	vadd.s32 $0x68, v0;
	v39 =	vor.u32 $0x130, v0;
	v40 =	vadd.s32 $0x78, v0;
	s26 =	simm.s32 $0x4;
	s5 =	smul.u32 $0xC80, s5;
	s14 =	sshrl.u32 s6, $0x1  }
0x13: {  	v41 =	vor.u32 $0x140, v0;
	v42 =	vadd.s32 $0x88, v0;
	v43 =	vor.u32 $0x150, v0;
	s20 =	sadd.s32 s18, s0;
	s18 =	simm.s32 $0x7E40;
	s6 =	ssub.s32 s6, s14  }
0x14: {  	v25 =	vand.u32 $0xFF, v22;
	v22 =	vsel vm0, $0x189, v24;
	v24 =	vimm.s32 $0x76543210;
	s17 =	sadd.s32 s12, s11;
	s8 =	sadd.s32 s8, s20;
	s11 =	simm.s32 $0x1  }
0x15: {  	v44 =	vadd.s32 $0x98, v0;
	v45 =	vor.u32 $0x160, v0;
	v22 =	vsel vm10, $0x18A, v22;
	s12 =	simm.s32 $0x50;
	s14 =	simm.s32 $0x5640;
	s20 =	simm.s32 $0x9240  }
0x16: {  	v46 =	vadd.s32 $0xA8, v0;
	v24 =	vunpack.c.l.s4.s8 v24;
	s15 =	sadd.s32 s9, s5;
	s16 =	smax.u32 s6, $0x1;
	v22 =	vsel vm1, $0x18B, v22;
	s9 =	sadd.s32 s10, s9  }
0x17: {  	v47 =	vor.u32 $0x170, v0;
	v48 =	vadd.s32 $0xB8, v0;
	s10 =	sshll.u32 s17, $0x3;
	s17 =	simm.s32 $0x1E0;
	[dreg:$0xc] =	wrdreg s15;
	v22 =	vsel vm12, $0x18C, v22  }
0x18: {  	v49 =	vor.u32 $0x180, v0;
	s4 =	sadd.s32 $0x32, s15;
	[dreg:$0xe] =	wrdreg s16;
	s9 =	sadd.s32 s13, s9;
	v24 =	vunpack.c.0.s8.s32 v24;
	v22 =	vsel vm13, $0x18D, v22  }
0x19: {  	v23 =	vand.u32 $0xFF, v23;
	v26 =	vsel vm11, v27, v26;
	s19 =	sadd.s32 s10, s0;
	s10 =	simm.s32 $0x190;
	s13 =	simm.s32 $0x640;
	v27 =	vsel vm14, $0x18E, v22  }
0x1a: {  	s15 =	simm.s32 $0x2;
	s16 =	simm.s32 $0x6A40;
	[dreg:$0xd] =	wrdreg s4;
	v26 =	vcombine.low v26, v24;
	v22 =	vor.u32 $0xB0, v0;
	v24 =	vsel vm11, v23, v25  }
0x1b: {  	[dreg:$0x4] =	wrdreg s9;
	s21 =	sadd.s32 $0xC80, s19;
	s9 =	sshrl.u32 @!p0 s3, $0x3;
	v23 =	vadd.s32 $0x178, v0;
	v25 =	vsel vm15, $0x18F, v27;
	v27 =	vor.u32 $0xD0, v0  }
0x1c: {  	s19 =	simm.s32 $0x230;
	[dreg:$0xf] =	wrdreg s21;
	s21 =	simm.s32 $0x280;
	v24 =	vcombine.low v25, v24;
	v25 =	vand.u32 $0xFF, v26;
	v26 =	vadd.s32 $0x8, v0  }
.LBB2_1:
0x1d: {  	s3 =	simm.s32 @!p0 $0x1C07;
	s0 =	rddreg [dreg:$0xb]  }
0x1e: {  	[spmem:s9], [sflag:s3] =	dma.local @!p0 [hbm:s0], $0xC80  }
0x1f: {  	s3 =	simm.s32 @!p0 $0x7  }
0x20: {  	_ =	swait.ge @!p0 [sflag:s3], $0xC80  }
0x21: {  	[sflag:s3] =	ssyncset.done @!p0 $0x0  }
0x22: {  	[sflag:s3] =	ssyncadd.s32 @!p0 $0xFFFFF380  }
0x23: {  	[bflag:$0x0] =	sbarrier.arrive $0xFFFF  }
0x24: {  	s6 =	rddreg [dreg:$0xc]  }
0x25: {  	[tilespmem:s1], [sflag:$0x1] =	stream.linear.gather [hbm4b:s6+s1], $0x190, $0x38;
	[tilespmem:$0xD480] =	vst v63  }
0x26: {  	s7 =	rddreg [dreg:$0xd]  }
0x27: {  	[tilespmem:s10], [sflag:$0x2] =	stream.linear.gather [hbm4b:s7+s1], $0x190, $0x38;
	[tilespmem:$0xD480] =	vst v63  }
0x28: {  	s31 =	smov.u32 s8;
	s3 =	simm.s32 $0x0;
	s7 =	rddreg [dreg:$0xf]  }
.LBB2_2:
0x29: {  	p1 =	seq.s32 s3, $0x0  }
0x2a: {  	s5 =	simm.s32 @!p1 $0x5  }
0x2b: {  	_ =	swait.ge @!p1 [sflag:s5], $0x6400  }
0x2c: {  	[sflag:s5] =	ssyncset.done @!p1 $0x0  }
0x2d: {  	[sflag:s5] =	ssyncadd.s32 @!p1 $0xFFFF9C00  }
0x2e: {  	_ =	swait.ge [sflag:s11], $0x190  }
0x2f: {  	[sflag:s11] =	ssyncset.done $0x0  }
0x30: {  	[sflag:s11] =	ssyncadd.s32 $0xFFFFFE70  }
0x31: {  	v50 =	vld [tilespmem:$0x0]  }
0x32: {  	v51 =	vld [tilespmem:$0x10]  }
0x33: {  	v52 =	vld [tilespmem:$0x20]  }
0x34: {  	v53 =	vld [tilespmem:$0x30]  }
0x35: {  	v54 =	vld [tilespmem:$0x40]  }
0x36: {  	v63 =	vld [tilespmem:$0x50];
	vm0 =	veq.s32 v50, $0x0  }
0x37: {  	v58 =	vld [tilespmem:$0x70];
	vm15 =	veq.s32 v51, $0x0;
	v55 =	vsel vm0, v1, v0  }
0x38: {  	v60 =	vld [tilespmem:$0x80];
	vm4 =	veq.s32 v52, $0x0;
	v57 =	vsel vm15, v3, v2;
	[tilespmem:$0x320] =	vst v55  }
0x39: {  	v51 =	vld [tilespmem:$0x60];
	vm5 =	veq.s32 v53, $0x0;
	v59 =	vsel vm4, v5, v4;
	[tilespmem:$0x330] =	vst v57  }
0x3a: {  	vm6 =	veq.s32 v54, $0x0;
	v54 =	vld [tilespmem:$0x90];
	v61 =	vsel vm5, v7, v6;
	[tilespmem:$0x340] =	vst v59  }
0x3b: {  	vm7 =	veq.s32 v63, $0x0;
	v50 =	vld [tilespmem:$0xA0];
	v62 =	vsel vm6, v9, v8;
	[tilespmem:$0x350] =	vst v61  }
0x3c: {  	vm9 =	veq.s32 v58, $0x0;
	v58 =	vld [tilespmem:$0xC0];
	v63 =	vsel vm7, v11, v10;
	[tilespmem:$0x360] =	vst v62  }
0x3d: {  	vm10 =	veq.s32 v60, $0x0;
	v60 =	vld [tilespmem:$0xD0];
	[tilespmem:$0x370] =	vst v63;
	v59 =	vsel vm9, v15, v14  }
0x3e: {  	v61 =	vsel vm10, v17, v16;
	[tilespmem:$0x390] =	vst v59;
	vm8 =	veq.s32 v51, $0x0;
	v51 =	vld [tilespmem:$0xB0]  }
0x3f: {  	[tilespmem:$0x3A0] =	vst v61;
	vm11 =	veq.s32 v54, $0x0;
	v54 =	vld [tilespmem:$0xE0];
	v57 =	vsel vm8, v13, v12  }
0x40: {  	vm12 =	veq.s32 v50, $0x0;
	v50 =	vld [tilespmem:$0xF0];
	v62 =	vsel vm11, v19, v18;
	[tilespmem:$0x380] =	vst v57  }
0x41: {  	vm14 =	veq.s32 v58, $0x0;
	v58 =	vld [tilespmem:$0x110];
	v63 =	vsel vm12, v21, v20;
	[tilespmem:$0x3B0] =	vst v62  }
0x42: {  	vm15 =	veq.s32 v60, $0x0;
	v60 =	vld [tilespmem:$0x120];
	v59 =	vsel vm14, v24, v25;
	[tilespmem:$0x3C0] =	vst v63  }
0x43: {  	v61 =	vsel vm15, v27, v26;
	[tilespmem:$0x3E0] =	vst v59;
	vm13 =	veq.s32 v51, $0x0;
	v51 =	vld [tilespmem:$0x100]  }
0x44: {  	[tilespmem:$0x3F0] =	vst v61;
	vm4 =	veq.s32 v54, $0x0;
	v54 =	vld [tilespmem:$0x130];
	v57 =	vsel vm13, v23, v22  }
0x45: {  	vm5 =	veq.s32 v50, $0x0;
	v50 =	vld [tilespmem:$0x140];
	v62 =	vsel vm4, v29, v28;
	[tilespmem:$0x3D0] =	vst v57  }
0x46: {  	vm7 =	veq.s32 v58, $0x0;
	v58 =	vld [tilespmem:$0x160];
	v63 =	vsel vm5, v31, v30;
	[tilespmem:$0x400] =	vst v62  }
0x47: {  	vm8 =	veq.s32 v60, $0x0;
	v60 =	vld [tilespmem:$0x170];
	v59 =	vsel vm7, v35, v34;
	[tilespmem:$0x410] =	vst v63  }
0x48: {  	v61 =	vsel vm8, v37, v36;
	[tilespmem:$0x430] =	vst v59;
	v62 =	vld [tilespmem:$0x180];
	vm6 =	veq.s32 v51, $0x0  }
0x49: {  	[tilespmem:$0x440] =	vst v61;
	v51 =	vld [tilespmem:$0x150];
	vm9 =	veq.s32 v54, $0x0;
	v57 =	vsel vm6, v33, v32  }
0x4a: {  	vm10 =	veq.s32 v50, $0x0;
	v63 =	vsel vm9, v39, v38;
	[tilespmem:$0x420] =	vst v57  }
0x4b: {  	vm12 =	veq.s32 v58, $0x0;
	v50 =	vsel vm10, v41, v40;
	[tilespmem:$0x450] =	vst v63  }
0x4c: {  	vm13 =	veq.s32 v60, $0x0;
	v58 =	vsel vm12, v45, v44;
	[tilespmem:$0x460] =	vst v50  }
0x4d: {  	v59 =	vsel vm13, v47, v46;
	[tilespmem:$0x480] =	vst v58;
	vm14 =	veq.s32 v62, $0x0  }
0x4e: {  	[tilespmem:$0x490] =	vst v59;
	v60 =	vsel vm14, v49, v48;
	vm11 =	veq.s32 v51, $0x0  }
0x4f: {  	s4 =	rddreg [dreg:$0x5];
	[tilespmem:$0x4A0] =	vst v60;
	v57 =	vsel vm11, v43, v42  }
0x50: {  	s5 =	rddreg [dreg:$0x6];
	[tilespmem:$0x470] =	vst v57  }
0x51: {  	[tilespmem:s13], [sflag:$0x3] =	stream.indirect.gather [hbm4b:s2+s12], $0x40, s1, s12, $0xb8;
	[tilespmem:$0xD480] =	vst v63  }
0x52: {  	s6 =	rddreg [dreg:$0x7]  }
0x53: {  	[tilespmem:s4], [sflag:$0x3] =	stream.indirect.gather [hbm4b:s2+s12], $0x40, s12, s12, $0xb8;
	[tilespmem:$0xD480] =	vst v63  }
0x54: {  	s0 =	rddreg [dreg:$0x9]  }
0x55: {  	[tilespmem:s6], [sflag:$0x3] =	stream.indirect.gather [hbm4b:s2+s12], $0x40, s5, s12, $0xb8;
	[tilespmem:$0xD480] =	vst v63  }
0x56: {  	s4 =	rddreg [dreg:$0x8]  }
0x57: {  	[tilespmem:s0], [sflag:$0x3] =	stream.indirect.gather [hbm4b:s2+s12], $0x40, s4, s12, $0xb8;
	[tilespmem:$0xD480] =	vst v63  }
0x58: {  	s6 =	rddreg [dreg:$0xa];
	s0 =	simm.s32 @!p1 $0x6  }
0x59: {  	[tilespmem:s14], [sflag:$0x3] =	stream.indirect.gather [hbm4b:s2+s12], $0x40, s6, s12, $0xb8;
	[tilespmem:$0xD480] =	vst v63  }
0x5a: {  	_ =	swait.ge @!p1 [sflag:s0], $0x6400  }
0x5b: {  	[sflag:s0] =	ssyncset.done @!p1 $0x0  }
0x5c: {  	[sflag:s0] =	ssyncadd.s32 @!p1 $0xFFFF9C00  }
0x5d: {  	_ =	swait.ge [sflag:s15], $0x190  }
0x5e: {  	[sflag:s15] =	ssyncset.done $0x0  }
0x5f: {  	[sflag:s15] =	ssyncadd.s32 $0xFFFFFE70  }
0x60: {  	v61 =	vld [tilespmem:$0x190]  }
0x61: {  	v62 =	vld [tilespmem:$0x1A0]  }
0x62: {  	v63 =	vld [tilespmem:$0x1B0]  }
0x63: {  	v57 =	vld [tilespmem:$0x1C0]  }
0x64: {  	v58 =	vld [tilespmem:$0x1D0]  }
0x65: {  	v50 =	vld [tilespmem:$0x1E0]  }
0x66: {  	v51 =	vld [tilespmem:$0x1F0];
	vm15 =	veq.s32 v61, $0x0  }
0x67: {  	v54 =	vld [tilespmem:$0x220];
	vm4 =	veq.s32 v62, $0x0;
	v59 =	vsel vm15, v1, v0  }
0x68: {  	vm5 =	veq.s32 v63, $0x0;
	v61 =	vld [tilespmem:$0x200];
	v60 =	vsel vm4, v3, v2;
	[tilespmem:$0x4B0] =	vst v59  }
0x69: {  	vm6 =	veq.s32 v57, $0x0;
	v63 =	vld [tilespmem:$0x210];
	v62 =	vsel vm5, v5, v4;
	[tilespmem:$0x4C0] =	vst v60  }
0x6a: {  	vm7 =	veq.s32 v58, $0x0;
	vm8 =	veq.s32 v50, $0x0;
	v50 =	vld [tilespmem:$0x230];
	v57 =	vsel vm6, v7, v6;
	[tilespmem:$0x4D0] =	vst v62  }
0x6b: {  	vm9 =	veq.s32 v51, $0x0;
	v51 =	vld [tilespmem:$0x240];
	v58 =	vsel vm7, v9, v8;
	[tilespmem:$0x4E0] =	vst v57  }
0x6c: {  	vm12 =	veq.s32 v54, $0x0;
	v54 =	vld [tilespmem:$0x270];
	[tilespmem:$0x4F0] =	vst v58;
	v59 =	vsel vm8, v11, v10  }
0x6d: {  	v60 =	vsel vm9, v13, v12;
	[tilespmem:$0x500] =	vst v59;
	vm10 =	veq.s32 v61, $0x0;
	v61 =	vld [tilespmem:$0x250]  }
0x6e: {  	v58 =	vsel vm12, v19, v18;
	[tilespmem:$0x510] =	vst v60;
	vm11 =	veq.s32 v63, $0x0;
	v63 =	vld [tilespmem:$0x260]  }
0x6f: {  	[tilespmem:$0x540] =	vst v58;
	vm13 =	veq.s32 v50, $0x0;
	v50 =	vld [tilespmem:$0x280];
	v62 =	vsel vm10, v15, v14  }
0x70: {  	vm14 =	veq.s32 v51, $0x0;
	v51 =	vld [tilespmem:$0x290];
	v57 =	vsel vm11, v17, v16;
	[tilespmem:$0x520] =	vst v62  }
0x71: {  	vm5 =	veq.s32 v54, $0x0;
	v54 =	vld [tilespmem:$0x2C0];
	v59 =	vsel vm13, v21, v20;
	[tilespmem:$0x530] =	vst v57  }
0x72: {  	v60 =	vsel vm14, v23, v22;
	[tilespmem:$0x550] =	vst v59;
	vm15 =	veq.s32 v61, $0x0;
	v61 =	vld [tilespmem:$0x2A0]  }
0x73: {  	v58 =	vsel vm5, v29, v28;
	[tilespmem:$0x560] =	vst v60;
	vm4 =	veq.s32 v63, $0x0;
	v63 =	vld [tilespmem:$0x2B0]  }
0x74: {  	[tilespmem:$0x590] =	vst v58;
	v58 =	vld [tilespmem:$0x310];
	v62 =	vsel vm15, v24, v25  }
0x75: {  	vm6 =	veq.s32 v50, $0x0;
	v50 =	vld [tilespmem:$0x2D0];
	v57 =	vsel vm4, v27, v26;
	[tilespmem:$0x570] =	vst v62  }
0x76: {  	vm7 =	veq.s32 v51, $0x0;
	v51 =	vld [tilespmem:$0x2E0];
	v59 =	vsel vm6, v31, v30;
	[tilespmem:$0x580] =	vst v57  }
0x77: {  	vm10 =	veq.s32 v54, $0x0;
	v60 =	vsel vm7, v33, v32;
	[tilespmem:$0x5A0] =	vst v59;
	vm8 =	veq.s32 v61, $0x0;
	v61 =	vld [tilespmem:$0x2F0]  }
0x78: {  	[tilespmem:$0x5B0] =	vst v60;
	v59 =	vsel vm10, v39, v38;
	vm9 =	veq.s32 v63, $0x0;
	v63 =	vld [tilespmem:$0x300]  }
0x79: {  	[tilespmem:$0x5E0] =	vst v59;
	v62 =	vsel vm8, v35, v34  }
0x7a: {  	vm11 =	veq.s32 v50, $0x0;
	v57 =	vsel vm9, v37, v36;
	[tilespmem:$0x5C0] =	vst v62  }
0x7b: {  	vm12 =	veq.s32 v51, $0x0;
	v50 =	vsel vm11, v41, v40;
	[tilespmem:$0x5D0] =	vst v57  }
0x7c: {  	vm15 =	veq.s32 v58, $0x0;
	v60 =	vsel vm12, v43, v42;
	[tilespmem:$0x5F0] =	vst v50  }
0x7d: {  	[tilespmem:$0x600] =	vst v60;
	vm13 =	veq.s32 v61, $0x0;
	vm14 =	veq.s32 v63, $0x0;
	v63 =	vsel vm15, v49, v48  }
0x7e: {  	v61 =	vsel vm13, v45, v44;
	[tilespmem:$0x630] =	vst v63  }
0x7f: {  	v62 =	vsel vm14, v47, v46;
	[tilespmem:$0x610] =	vst v61  }
0x80: {  	[tilespmem:$0x620] =	vst v62  }
0x81: {  	[tilespmem:s16], [sflag:$0x4] =	stream.indirect.gather [hbm4b:s2+s12], $0x40, s10, s12, $0xb8;
	[tilespmem:$0xD480] =	vst v63  }
0x82: {  	_ = 	snop  }
0x83: {  	[tilespmem:s18], [sflag:$0x4] =	stream.indirect.gather [hbm4b:s2+s12], $0x40, s17, s12, $0xb8;
	[tilespmem:$0xD480] =	vst v63  }
0x84: {  	_ = 	snop  }
0x85: {  	[tilespmem:s20], [sflag:$0x4] =	stream.indirect.gather [hbm4b:s2+s12], $0x40, s19, s12, $0xb8;
	[tilespmem:$0xD480] =	vst v63  }
0x86: {  	_ = 	snop  }
0x87: {  	[tilespmem:s22], [sflag:$0x4] =	stream.indirect.gather [hbm4b:s2+s12], $0x40, s21, s12, $0xb8;
	[tilespmem:$0xD480] =	vst v63  }
0x88: {  	_ = 	snop  }
0x89: {  	[tilespmem:s24], [sflag:$0x4] =	stream.indirect.gather [hbm4b:s2+s12], $0x40, s23, s12, $0xb8;
	[tilespmem:$0xD480] =	vst v63  }
0x8a: {  	_ =	swait.ge [sflag:s25], $0x1400  }
0x8b: {  	[sflag:s25] =	ssyncset.done $0x0  }
0x8c: {  	[sflag:s25] =	ssyncadd.s32 $0xFFFFEC00  }
0x8d: {  	_ =	swait.ge [sflag:s25], $0x1400  }
0x8e: {  	[sflag:s25] =	ssyncset.done $0x0  }
0x8f: {  	[sflag:s25] =	ssyncadd.s32 $0xFFFFEC00  }
0x90: {  	_ =	swait.ge [sflag:s25], $0x1400  }
0x91: {  	[sflag:s25] =	ssyncset.done $0x0  }
0x92: {  	[sflag:s25] =	ssyncadd.s32 $0xFFFFEC00  }
0x93: {  	_ =	swait.ge [sflag:s25], $0x1400  }
0x94: {  	[sflag:s25] =	ssyncset.done $0x0  }
0x95: {  	[sflag:s25] =	ssyncadd.s32 $0xFFFFEC00  }
0x96: {  	_ =	swait.ge [sflag:s25], $0x1400  }
0x97: {  	p1 =	seq.s32 s3, $0xC1C;
	s0 =	rddreg [dreg:$0x4]  }
0x98: {  	[sflag:s25] =	ssyncset.done $0x0;
	s0 =	sadd.s32 @!p1 s3, s0  }
0x99: {  	s5 =	simm.s32 @!p1 $0x0;
	[sflag:s25] =	ssyncadd.s32 $0xFFFFEC00;
	s4 =	sadd.s32 @!p1 $0x64, s0  }
0x9a: {  	[tilespmem:s5], [sflag:$0x1] =	stream.linear.gather @!p1 [hbm4b:s4+s5], $0x190, $0x38;
	[tilespmem:$0xD480] =	vst v63  }
0x9b: {  	_ = 	snop  }
0x9c: {  	[hbm4b:s31+s1] =	stream.linear.scatter [tilespmem:s13], [sflag:$0x5], $0x6400, $0x38;
	[tilespmem:$0xD480] =	vst v63  }
0x9d: {  	_ =	swait.ge [sflag:s26], $0x1400  }
0x9e: {  	[sflag:s26] =	ssyncset.done $0x0  }
0x9f: {  	[sflag:s26] =	ssyncadd.s32 $0xFFFFEC00  }
0xa0: {  	_ =	swait.ge [sflag:s26], $0x1400  }
0xa1: {  	[sflag:s26] =	ssyncset.done $0x0  }
0xa2: {  	[sflag:s26] =	ssyncadd.s32 $0xFFFFEC00  }
0xa3: {  	_ =	swait.ge [sflag:s26], $0x1400  }
0xa4: {  	[sflag:s26] =	ssyncset.done $0x0  }
0xa5: {  	[sflag:s26] =	ssyncadd.s32 $0xFFFFEC00  }
0xa6: {  	_ =	swait.ge [sflag:s26], $0x1400  }
0xa7: {  	[sflag:s26] =	ssyncset.done $0x0  }
0xa8: {  	[sflag:s26] =	ssyncadd.s32 $0xFFFFEC00  }
0xa9: {  	_ =	swait.ge [sflag:s26], $0x1400  }
0xaa: {  	s3 =	sadd.s32 $0x64, s3;
	[sflag:s26] =	ssyncset.done $0x0  }
0xab: {  	s0 =	sadd.s32 @!p1 $0x96, s0;
	s4 =	simm.s32 @!p1 $0x190;
	[sflag:s26] =	ssyncadd.s32 $0xFFFFEC00  }
0xac: {  	[tilespmem:s4], [sflag:$0x2] =	stream.linear.gather @!p1 [hbm4b:s0+s5], $0x190, $0x38;
	[tilespmem:$0xD480] =	vst v63  }
0xad: {  	p1 =	sne.s32 s3, $0xC80  }
.Ltmp0:
0xae: {  	_ = 	snop;
	(pc) =	sbr.rel @p1 .LBB2_2-.Ltmp0, $3  }
0xaf: {  	_ =	sdelay $0x1  }
0xb0: {  	[hbm4b:s7+s1] =	stream.linear.scatter [tilespmem:s16], [sflag:$0x6], $0x6400, $0x38;
	[tilespmem:$0xD480] =	vst v63  }
0xb1: {  	s31 =	sadd.s32 $0x1900, s31;
	s7 =	sadd.s32 $0x1900, s7  }
0xb2: {  	_ =	swait.ge [sflag:s28], $0x6400  }
0xb3: {  	[sflag:s28] =	ssyncset.done $0x0  }
0xb4: {  	[sflag:s28] =	ssyncadd.s32 $0xFFFF9C00  }
0xb5: {  	_ =	swait.ge [sflag:s29], $0x6400  }
0xb6: {  	s30 =	sadd.s32 $0x1, s30;
	s0 =	rddreg [dreg:$0xe]  }
0xb7: {  	p1 =	sne.s32 s30, s0  }
.Ltmp1:
0xb8: {  	_ = 	snop;
	(pc) =	sbr.rel @p1 .LBB2_1-.Ltmp1, $3  }
0xb9: {  	_ =	sdelay $0x1  }
0xba: {  	[sflag:s29] =	ssyncset.done $0x0  }
0xbb: {  	[sflag:s29] =	ssyncadd.s32 $0xFFFF9C00  }
0xbc: {  	_ =	sfence.sel $0x180000  }
0xbd: {  	[bflag:$0x0] =	sbarrier.arrive $0xFFFF  }
0xbe: {  	_ =	strace $0x90000047  }
0xbf: {  	[bflag:$0x2] =	sbarrier.arrive $0xFFFF  }
0xc0: {  	s0 =	rddreg [dreg:$0x3]  }
0xc1: {  	s0 =	sadd.s32 @!p0 $0x100000, s0  }
0xc2: {  	[sflag:s0] =	ssyncadd.tile.s32 @!p0 $0x1;
	_ =	shalt  }
.Lfunc_end2:
_tile_overlayer_lowered:
.L_overlay_start_2:
0xc3: {  	(tag) =	ssettag $0x2  }
0xc4: {  	s0 =	rddreg [dreg:$0x0];
	s2 =	stileid.u32  }
0xc5: {  	s1 =	rddreg [dreg:$0x1];
	p0 =	sne.s32 s2, $0x0  }
0xc6: {  	s3 =	rddreg [dreg:$0x2];
	[bflag:$0x3] =	sbarrier.arrive $0xFFFF;
	s2 =	simm.s32 @!p0 $0x1C07  }
0xc7: {  	[timem:s3], [sflag:s2] =	dma.local @!p0 [hbm:s0], s1  }
0xc8: {  	s0 =	simm.s32 @!p0 $0x7  }
0xc9: {  	_ =	swait.ge @!p0 [sflag:s0], s1  }
0xca: {  	s1 =	ssub.s32 @!p0 $0x0, s1;
	[sflag:s0] =	ssyncset.done @!p0 $0x0  }
0xcb: {  	[sflag:s0] =	ssyncadd.s32 @!p0 s1  }
0xcc: {  	[bflag:$0x3] =	sbarrier.arrive $0xFFFF  }
0xcd: {  	_ =	shalt  }

// kernel: sparse-core-data-format-call.cloned.1.call-start
scs
called_computation_lowered:
.L_overlay_start_0:
0x0: {  	s2 =	sld [smem:$0x3FD9]  }
0x1: {  	s3 =	sld [smem:$0x3FFE];
	_ =	sdelay $0x1  }
0x2: {  	s1 =	srdreg.scid  }
0x3: {  	s0 =	sand.u32 $0x1, s1  }
0x4: {  	s18 =	sshll.u32 s0, $0xA;
	s2 =	sadd.s32 s3, s2  }
0x5: {  	s2 =	sadd.s32 s2, s18  }
0x6: {  	[smem:$0x3FC5] =	sst s2  }
0x7: {  	_ = 	snop  }
0x8: {  	s2 =	sld [smem:$0x3FD0];
	(tm) =	ssettm $0x1  }
0x9: {  	s19 =	sld [smem:$0x3FFB];
	_ =	sdelay $0x3  }
0xa: {  	_ =	strace s19  }
0xb: {  	s3 =	sld [smem:$0x3FFC];
	_ =	sdelay $0x3  }
0xc: {  	_ =	strace s3  }
0xd: {  	s3 =	sld [smem:$0x3FFD];
	_ =	sdelay $0x3  }
0xe: {  	_ =	strace s3  }
0xf: {  	_ =	strace $0x8FFFFFFF  }
0x10: {  	s20 =	sld [smem:$0x3FDB];
	_ =	sdelay $0x1  }
0x11: {  	s4 =	simm.s32 $_scs_section_size  }
0x12: {  	s5 =	simm.s32 $_size__tile_overlayer_lowered;
	s6 =	simm.s32 $_tile_overlayer_lowered  }
0x13: {  	s23 =	simm.s32 $0x1BFF;
	s22 =	sshll.u32 s6, $0x1;
	s3 =	sadd.s32 s4, s20  }
0x14: {  	s7 =	simm.s32 $0x0;
	s21 =	sshll.u32 s5, $0x1;
	s5 =	sadd.s32 s22, s3  }
0x15: {  	[timem:s7], [sflag:s23] =	dma.local [hbm:s5], s21  }
0x16: {  	_ =	swait.ge [sflag:s23], s21  }
0x17: {  	s4 =	ssub.s32 $0x0, s21;
	[sflag:s23] =	ssyncset.done $0x0  }
0x18: {  	[sflag:s23] =	ssyncadd.s32 s4;
	_ =	sdelay $0x1  }
0x19: {  	s24 =	simm.s32 $0x1B8B  }
0x1a: {  	_ =	swait.ge [sflag:s24], $0x1  }
0x1b: {  	[sflag:s24] =	ssyncset.done $0x0  }
0x1c: {  	s26 =	simm.s32 $0x1B8E;
	s25 =	sld [smem:$0x3FFE];
	[sflag:s24] =	ssyncadd.s32 $0xFFFFFFFF  }
0x1d: {  	s27 =	simm.s32 $execute0_lowered;
	[smem:$0x3FD2] =	sst s26  }
0x1e: {  	s5 =	sshll.u32 s27, $0x1;
	_ =	strace $0x80000049;
	[dreg:$0x1] =	wrdreg $0xFFFFFFFF  }
0x1f: {  	s28 =	simm.s32 $_size_execute0_lowered;
	s3 =	sadd.s32 s3, s5;
	[dreg:$0x0] =	wrdreg $0x0  }
0x20: {  	s5 =	sshll.u32 s28, $0x1;
	[dreg:$0x2] =	wrdreg s3  }
0x21: {  	[dreg:$0x3] =	wrdreg s5  }
0x22: {  	[dreg:$0x4] =	wrdreg $0xC0  }
0x23: {  	_ =	task [dreg:s7], $0x5FFFF  }
0x24: {  	[dreg:$0x1] =	wrdreg $0xFFFFFFFF  }
0x25: {  	[dreg:$0x0] =	wrdreg $0x60  }
0x26: {  	[dreg:$0x2] =	wrdreg s25  }
0x27: {  	[dreg:$0x3] =	wrdreg s2  }
0x28: {  	[dreg:$0x4] =	wrdreg $0x9  }
0x29: {  	_ =	task.clear_ibuf [dreg:s7], $0x5FFFF;
	_ =	strace $0x90000049  }
0x2a: {  	s29 =	simm.s32 $0x9;
	_ =	strace $0x8000004B  }
0x2b: {  	_ =	swait.ge [sflag:s29], $0x1  }
0x2c: {  	[sflag:s29] =	ssyncadd.s32 $0xFFFFFFFF  }
0x2d: {  	_ =	strace $0x9000004B  }
0x2e: {  	_ =	sfence  }
0x2f: {  	s30 =	sld [smem:$0x0];
	_ =	sdelay $0x2  }
0x30: {  	s31 =	sshll.u32 s1, $0xD;
	s1 =	sshrl.u32 s1, $0x2  }
0x31: {  	s3 =	sand.u32 $0x4000, s31;
	s1 =	sadd.s32 s1, s30  }
0x32: {  	s0 =	sor.u32 s3, s0;
	s1 =	sshll.u32 s1, $0x11  }
0x33: {  	s0 =	sor.u32 s1, s0  }
0x34: {  	s0 =	sadd.s32 $0x8F2B, s0  }
0x35: {  	[sflag:s0] =	ssyncadd.remote.s32 $0x1  }
0x36: {  	_ =	sfence.sel $0xFFFF  }
0x37: {  	[dreg:$0x0] =	wrdreg $0xFFFFFFFF;
	(pc) =	sbr.abs _section_cstart, $3  }
0x38: {  	[dreg:$0x1] =	wrdreg $0xFFFFFFFF  }
0x39: {  	_ =	task.clear_ibuf [dreg:s7], $0x2FFFF;
	_ =	strace $0x9FFFFFFF  }
0x3a: {  	(tm) =	ssettm $0x7FFFFFFF  }
0x3b: {  	_ =	shalt  }
tec
execute0_lowered:
.L_overlay_start_1:
0x0: {  	(tag) =	ssettag $0x1  }
0x1: {  	s0 =	srdreg.scid  }
0x2: {  	s1 =	sshll.u32 s0, $0x4  }
0x3: {  	s0 =	stileid.u32;
	s1 =	sand.u32 $0x10, s1  }
0x4: {  	s1 =	sor.u32 s0, s1  }
0x5: {  	s6 =	rddreg [dreg:$0x0];
	s4 =	simm.s32 $0x1;
	s2 =	sshll.u32 s1, $0x7  }
0x6: {  	s7 =	simm.s32 $0x2;
	s12 =	simm.s32 $0x0;
	s1 =	ssub.s32 $0x1000, s2  }
0x7: {  	s8 =	simm.s32 $0x8000;
	s13 =	simm.s32 $0x0;
	s3 =	sand.u32 $0xF80, s1  }
0x8: {  	s9 =	simm.s32 $0x0;
	s5 =	sshrl.u32 s1, $0xC;
	p0 =	sne.s32 s3, $0x0  }
.Ltmp0:
0x9: {  	s1 =	rddreg [dreg:$0x2];
	s4 =	simm.s32 @!p0 $0x0;
	(pc) =	sbr.rel .LBB1_1-.Ltmp0, $4  }
0xa: {  	s11 =	simm.s32 $0x0;
	s3 =	rddreg [dreg:$0x1];
	s5 =	sadd.s32 s4, s5  }
0xb: {  	_ =	strace $0x8000004A;
	s4 =	simm.s32 $0x1;
	s5 =	smul.u32 $0xC8, s5  }
0xc: {  	s6 =	sadd.s32 $0xC00, s6;
	s10 =	smov.u32 s2;
	[sflag:s4] =	ssyncpa.u1 $0x0  }
0xd: {  	p0 =	por $0x0, $0x0;
	[sflag:s7] =	ssyncpa.u1 $0x0;
	s7 =	sor.u32 $0x1, s5  }
.LBB1_4:
0xe: {  	s16 =	sshll.u32 s13, $0x3;
	s17 =	sand.u32 $0x78, s13  }
0xf: {  	s30 =	sand.u32 $0x7E00, s13;
	s12 =	sshll.u32 s12, $0xF;
	s16 =	sand.u32 $0xC00, s16  }
0x10: {  	[tilespmem:s15+$0x810 ss:$0x81] =	vst.msk $0xffff, v2;
	s31 =	sand.u32 $0x7, s13;
	s16 =	sor.u32 s17, s16;
	s17 =	sadd.s32 s3, s30  }
0x11: {  	[tilespmem:s15+$0x1020 ss:$0x81] =	vst.msk $0xffff, v0;
	s13 =	sshll.u32 s31, $0x12;
	s12 =	sadd.s32 s12, s17;
	s16 =	sshrl.u32 s16, $0x3  }
0x12: {  	[tilespmem:s15+$0x0 ss:$0x81] =	vst.msk $0xffff, v1;
	s13 =	sor.u32 $0x400, s13;
	s12 =	sadd.s32 s16, s12  }
0x13: {  	[hbm4b:s12+s13] =	stream.strided.scatter [tilespmem:s14], [sflag:$0x2], $0x2000, s8, s13, $0x20;
	[tilespmem:$0x8080] =	vst v63  }
.LBB1_5:
0x14: {  	s14 =	sadd.s32 $0x1, s9  }
0x15: {  	s12 =	sadd.s32 $0x1000, s10;
	s16 =	smov.u32 s10;
	p2 =	sgt.s32 s14, $0xC7  }
0x16: {  	s16 =	smov.u32 @p2 s12  }
0x17: {  	s14 =	simm.s32 @p2 $0x0;
	p2 =	sgt.s32 s16, $0xFFF  }
0x18: {  	s16 =	smov.u32 @p2 s2;
	p2 =	sne.s32 s11, s7  }
.Ltmp1:
0x19: {  	p1 =	slt.u32 s11, $0x2;
	(pc) =	sbr.rel @!p2 .LBB1_6-.Ltmp1, $4  }
0x1a: {  	s15 =	simm.s32 @!p1 $0x2  }
0x1b: {  	s13 =	smov.u32 s10;
	p0 =	por !p0, !p0;
	_ =	swait.ge @!p1 [sflag:s15], $0x2000  }
0x1c: {  	s12 =	smov.u32 s9;
	[sflag:s15] =	ssyncset.done @!p1 $0x0;
	s9 =	smov.u32 s14  }
0x1d: {  	s11 =	sadd.s32 $0x1, s11;
	[sflag:s15] =	ssyncadd.s32 @!p1 $0xFFFFE000;
	s10 =	smov.u32 s16  }
.LBB1_1:
0x1e: {  	p1 =	sge.u32 s11, s5  }
0x1f: {  	s14 =	sand.u32 @!p1 $0x1FFFFFF, s9  }
0x20: {  	s15 =	smulhi.u32 @!p1 $0x147AE15, s14;
	_ =	sdelay $0x1  }
0x21: {  	s15 =	smul.u32 @!p1 $0xC8, s15  }
0x22: {  	s16 =	sxor.u32 @!p1 $0xFFFFFFFF, s11;
	s17 =	smul.u32 @!p1 $0xC80, s10  }
0x23: {  	s31 =	sadd.s32 $0xFFFFFFFF, s11;
	s16 =	sshll.u32 @!p1 s16, $0xD;
	s14 =	ssub.s32 @!p1 s14, s15  }
0x24: {  	s15 =	sand.u32 @!p1 $0x2000, s16;
	s16 =	sadd.s32 @!p1 s6, s17;
	s14 =	sshll.u32 @!p1 s14, $0x4  }
0x25: {  	s17 =	simm.s32 @!p1 $0x6400;
	s14 =	sadd.s32 @!p1 s14, s16;
	s16 =	simm.s32 @!p1 $0x40  }
0x26: {  	[tilespmem:s15], [sflag:$0x1] =	stream.strided.gather @!p1 [hbm4b:s14+s16], $0x2000, s17, s16, $0x38;
	[tilespmem:$0x8080] =	vst v63  }
0x27: {  	p1 =	sge.u32 s31, s5  }
.Ltmp2:
0x28: {  	_ = 	snop;
	(pc) =	sbr.rel @p1 .LBB1_5-.Ltmp2, $1  }
0x29: {  	_ =	sdelay $0x3  }
0x2a: {  	s14 =	simm.s32 $0x1  }
0x2b: {  	_ =	swait.ge [sflag:s4], $0x2000;
	s14 =	simm.s32 @!p0 $0x0  }
0x2c: {  	[sflag:s4] =	ssyncset.done $0x0;
	s15 =	sshll.u32 s14, $0xD  }
0x2d: {  	[sflag:s4] =	ssyncadd.s32 $0xFFFFE000;
	s18 =	sor.u32 $0x20, s15  }
0x2e: {  	s14 =	smul.u32 $0x8100, s14;
	v3 =	vld [tilespmem:s18+$0x10]  }
0x2f: {  	s30 =	sand.u32 $0x1, s11;
	v2 =	vld [tilespmem:s18+$0xFFFFFFF0]  }
0x30: {  	s15 =	smul.u32 $0x8100, s30;
	s14 =	sshrl.u32 s14, $0x2;
	v0 =	vld [tilespmem:s18+$0x0]  }
0x31: {  	v1 =	vld [tilespmem:s18+$0xFFFFFFE0];
	s16 =	sor.u32 $0x4000, s14  }
0x32: {  	s31 =	sshrl.u32 s15, $0x2;
	s15 =	sadd.s32 $0x0, s16  }
0x33: {  	s17 =	simm.s32 $0x4;
	s18 =	sadd.s32 $0x40, s18;
	s14 =	sor.u32 $0x4000, s31;
	[tilespmem:s15+$0x1830 ss:$0x81] =	vst.msk $0xffff, v3  }
.LBB1_3:
0x34: {  	v3 =	vld [tilespmem:s18+$0x10];
	p1 =	sne.s32 s17, $0x1FC;
	[tilespmem:s15+$0x810 ss:$0x81] =	vst.msk $0xffff, v2;
	s19 =	smov.u32 s17;
	s17 =	sadd.s32 $0x4, s17  }
.Ltmp3:
0x35: {  	v2 =	vld [tilespmem:s18+$0xFFFFFFF0];
	[tilespmem:s15+$0x1020 ss:$0x81] =	vst.msk $0xffff, v0;
	(pc) =	sbr.rel @p1 .LBB1_3-.Ltmp3, $4  }
0x36: {  	v0 =	vld [tilespmem:s18+$0x0];
	[tilespmem:s15+$0x0 ss:$0x81] =	vst.msk $0xffff, v1  }
0x37: {  	s15 =	sshra.s32 s19, $0x2;
	v1 =	vld [tilespmem:s18+$0xFFFFFFE0]  }
0x38: {  	s15 =	sadd.s32 s15, s16  }
0x39: {  	s18 =	sadd.s32 $0x40, s18;
	[tilespmem:s15+$0x1830 ss:$0x81] =	vst.msk $0xffff, v3  }
.Ltmp4:
0x3a: {  	_ = 	snop;
	(pc) =	sbr.rel .LBB1_4-.Ltmp4, $1  }
0x3b: {  	_ =	sdelay $0x3  }
.LBB1_6:
0x3c: {  	_ =	sfence.sel $0x180000  }
0x3d: {  	s2 =	simm.s32 $0x1;
	[bflag:$0x0] =	sbarrier.arrive $0xFFFF  }
0x3e: {  	s31 =	simm.s32 $0x2;
	[sflag:s2] =	ssyncpa.u1 $0x1  }
0x3f: {  	[sflag:s31] =	ssyncpa.u1 $0x1  }
0x40: {  	p0 =	sne.s32 s0, $0x0;
	_ =	strace $0x9000004A  }
0x41: {  	s0 =	sadd.s32 @!p0 $0x100000, s1;
	[bflag:$0x2] =	sbarrier.arrive $0xFFFF  }
0x42: {  	[sflag:s0] =	ssyncadd.tile.s32 @!p0 $0x1;
	_ =	shalt  }
.Lfunc_end1:
_tile_overlayer_lowered:
.L_overlay_start_2:
0x43: {  	(tag) =	ssettag $0x2  }
0x44: {  	s0 =	rddreg [dreg:$0x0];
	s2 =	stileid.u32  }
0x45: {  	s1 =	rddreg [dreg:$0x1];
	p0 =	sne.s32 s2, $0x0  }
0x46: {  	s3 =	rddreg [dreg:$0x2];
	[bflag:$0x3] =	sbarrier.arrive $0xFFFF;
	s2 =	simm.s32 @!p0 $0x1C01  }
0x47: {  	[timem:s3], [sflag:s2] =	dma.local @!p0 [hbm:s0], s1  }
0x48: {  	s0 =	simm.s32 @!p0 $0x1  }
0x49: {  	_ =	swait.ge @!p0 [sflag:s0], s1  }
0x4a: {  	s1 =	ssub.s32 @!p0 $0x0, s1;
	[sflag:s0] =	ssyncset.done @!p0 $0x0  }
0x4b: {  	[sflag:s0] =	ssyncadd.s32 @!p0 s1  }
0x4c: {  	[bflag:$0x3] =	sbarrier.arrive $0xFFFF  }
0x4d: {  	_ =	shalt  }

</sc_bundles>
